<compile_context>
chip_gen: v7x
topology: tpu7x:2x2x1
jax: 0.10.2.dev20260603
libtpu: 0.0.44.dev20260713+nightly
codegen_flags: <defaults>
</compile_context>

<pallas_src>
import functools

import jax
import jax.numpy as jnp
from jax import lax
from jax.experimental import pallas as pl
from jax.experimental.pallas import tpu as pltpu
from jax.experimental.pallas import tpu_sc as plsc

NUM_CORES = 2
NUM_SUBCORES = 16
NUM_WORKERS = NUM_CORES * NUM_SUBCORES
CHUNK = 64
NBUF = 4
LEAD = 3


@functools.partial(jax.jit, static_argnames=("nchunk", "embed_dim"))
def _sc_lookup(table, idx, *, nchunk, embed_dim):
    b_per_w = nchunk * CHUNK
    total = NUM_WORKERS * b_per_w
    mesh = plsc.VectorSubcoreMesh(core_axis_name="c", subcore_axis_name="s")

    @functools.partial(
        pl.kernel,
        out_type=jax.ShapeDtypeStruct((total, embed_dim), jnp.float32),
        mesh=mesh,
        scratch_types=[
            pltpu.VMEM((nchunk, CHUNK), jnp.int32),
            *[pltpu.VMEM((CHUNK, embed_dim), jnp.float32) for _ in range(NBUF)],
            *[pltpu.SemaphoreType.DMA for _ in range(2 * NBUF)],
        ],
    )
    def body(table_hbm, idx_hbm, out_hbm, idx_v, *rest):
        bufs = rest[:NBUF]
        gsems = rest[NBUF : 2 * NBUF]
        ssems = rest[2 * NBUF :]
        wid = lax.axis_index("s") * NUM_CORES + lax.axis_index("c")
        base = wid * b_per_w
        pltpu.sync_copy(idx_hbm.at[wid], idx_v)

        def out_slice(j):
            return out_hbm.at[pl.ds(base + j * CHUNK, CHUNK)]

        def start_gather(j, b):
            pltpu.async_copy(table_hbm.at[idx_v.at[j]], bufs[b], gsems[b])

        def wait_gather(j, b):
            pltpu.make_async_copy(table_hbm.at[idx_v.at[j]], bufs[b], gsems[b]).wait()

        def start_store(j, b):
            pltpu.async_copy(bufs[b], out_slice(j), ssems[b])

        def wait_store(j, b):
            pltpu.make_async_copy(bufs[b], out_slice(j), ssems[b]).wait()

        for t in range(LEAD):
            start_gather(t, t)

        def step(i, carry):
            for b in range(NBUF):
                j = NBUF * i + b
                ahead = j + LEAD
                nb = (b + LEAD) % NBUF

                @pl.when(ahead < nchunk)
                def _issue():
                    @pl.when(ahead >= NBUF)
                    def _drain():
                        wait_store(ahead - NBUF, nb)

                    start_gather(ahead, nb)

                wait_gather(j, b)
                start_store(j, b)
            return carry

        lax.fori_loop(0, nchunk // NBUF, step, 0)
        for t in range(NBUF):
            j = nchunk - NBUF + t
            wait_store(j, j % NBUF)

    return body(table, idx)


def kernel(x, table):
    embed_dim = table.shape[1]
    xf = x.reshape(-1).astype(jnp.int32)
    b = xf.shape[0]
    grain = NUM_WORKERS * CHUNK * NBUF
    b_pad = ((b + grain - 1) // grain) * grain
    if b_pad != b:
        xf = jnp.pad(xf, (0, b_pad - b))
    nchunk = b_pad // (NUM_WORKERS * CHUNK)
    idx = xf.reshape(NUM_WORKERS, nchunk, CHUNK)
    out = _sc_lookup(table, idx, nchunk=nchunk, embed_dim=embed_dim)
    if b_pad != b:
        out = out[:b]
    return out.reshape(x.shape + (embed_dim,))

# --- scband reference (transcript-rebuilt; emitter-appended) ---
"""Pipeline reference for scband-embedding-layer-71339406787422 (READ-ONLY COPY).

The authoritative reference and input builder live on the scoring server;
editing this copy changes nothing except your own understanding.
"""

import jax, jax.numpy as jnp
import numpy as np

NB_TOKEN = 100000
EMBED_DIM = 256

def setup_inputs(seed: int = 0) -> dict:
    key = jax.random.key(seed)
    k1, k2 = jax.random.split(key)
    x = jax.random.randint(k1, (4096, 200), 0, NB_TOKEN, dtype=jnp.int64 if jax.config.read('jax_enable_x64') else jnp.int32)
    # Embedding table (keras Embedding default: uniform init)
    table = jax.random.uniform(k2, (NB_TOKEN, EMBED_DIM), dtype=jnp.float32, minval=-0.05, maxval=0.05)
    return {"x": x, "table": table}

def reference(x, table):
    # Faithful translation of tf.keras.layers.Embedding lookup
    embed = jnp.take(table, x, axis=0)
    return embed

if __name__ == "__main__":
    import jax
    _d = setup_inputs()
    print(jax.jit(kernel)(*tuple(_d.values())))

</pallas_src>

<mosaic_0001>
#map = affine_map<(d0, d1) -> (0, 0)>
#map1 = affine_map<(d0, d1) -> (0, 0, 0)>
module attributes {stable_mosaic.version = 14 : i64} {
  func.func @body(%arg0: i32, %arg1: i32, %arg2: memref<100000x256xf32, #tpu.memory_space<hbm>>, %arg3: memref<32x400x64xi32, #tpu.memory_space<hbm>>, %arg4: memref<819200x256xf32, #tpu.memory_space<hbm>>, %arg5: memref<400x64xi32, #tpu.memory_space<vmem>>, %arg6: memref<64x256xf32, #tpu.memory_space<vmem>>, %arg7: memref<64x256xf32, #tpu.memory_space<vmem>>, %arg8: memref<64x256xf32, #tpu.memory_space<vmem>>, %arg9: memref<64x256xf32, #tpu.memory_space<vmem>>, %arg10: memref<!tpu.dma_semaphore, #tpu.memory_space<semaphore_mem>>, %arg11: memref<!tpu.dma_semaphore, #tpu.memory_space<semaphore_mem>>, %arg12: memref<!tpu.dma_semaphore, #tpu.memory_space<semaphore_mem>>, %arg13: memref<!tpu.dma_semaphore, #tpu.memory_space<semaphore_mem>>, %arg14: memref<!tpu.dma_semaphore, #tpu.memory_space<semaphore_mem>>, %arg15: memref<!tpu.dma_semaphore, #tpu.memory_space<semaphore_mem>>, %arg16: memref<!tpu.dma_semaphore, #tpu.memory_space<semaphore_mem>>, %arg17: memref<!tpu.dma_semaphore, #tpu.memory_space<semaphore_mem>>) attributes {dimension_semantics = [#tpu.dimension_semantics<core_parallel>, #tpu.dimension_semantics<subcore_parallel>], iteration_bounds = array<i64: 2, 16>, scalar_prefetch = 0 : i64, scratch_operands = 13 : i64, tpu.core_type = #tpu.core_type<sc_vector_subcore>, window_params = [{transform_indices = #map}, {transform_indices = #map1}, {transform_indices = #map}]} {
    %mul3A = arith.constant 2 : i32
    %mul3A_0 = arith.muli %arg1, %mul3A : i32
    %add3A = arith.addi %mul3A_0, %arg0 : i32
    %mul3A_1 = arith.constant 25600 : i32
    %mul3A_2 = arith.muli %add3A, %mul3A_1 : i32
    "tpu.region"() ({
      %run_scoped3A = tpu.sem_alloc : memref<!tpu.dma_semaphore, #tpu.memory_space<semaphore_mem>>
      %dma_start3A_51 = arith.constant 0 : i32
      %dma_start3A_52 = arith.constant 0 : i32
      %dma_start3A_53 = tpu.memref_slice %arg3[%add3A, %dma_start3A_51, %dma_start3A_52] : memref<32x400x64xi32, #tpu.memory_space<hbm>> -> memref<1x400x64xi32, #tpu.memory_space<hbm>>
      %dma_start3A_54 = tpu.memref_squeeze %dma_start3A_53 : memref<1x400x64xi32, #tpu.memory_space<hbm>> -> memref<400x64xi32, #tpu.memory_space<hbm>>
      %dma_start3A_55 = arith.constant 0 : i32
      %dma_start3A_56 = arith.constant 0 : i32
      %dma_start3A_57 = tpu.memref_slice %arg3[%add3A, %dma_start3A_55, %dma_start3A_56] : memref<32x400x64xi32, #tpu.memory_space<hbm>> -> memref<1x400x64xi32, #tpu.memory_space<hbm>>
      %dma_start3A_58 = tpu.memref_squeeze %dma_start3A_57 : memref<1x400x64xi32, #tpu.memory_space<hbm>> -> memref<400x64xi32, #tpu.memory_space<hbm>>
      tpu.enqueue_dma source(%dma_start3A_58 : memref<400x64xi32, #tpu.memory_space<hbm>>) target(%arg5 : memref<400x64xi32, #tpu.memory_space<vmem>>) target_semaphore(%run_scoped3A : memref<!tpu.dma_semaphore, #tpu.memory_space<semaphore_mem>>)
      %dma_wait3A_59 = arith.constant 0 : i32
      %dma_wait3A_60 = arith.constant 0 : i32
      %dma_wait3A_61 = tpu.memref_slice %arg3[%add3A, %dma_wait3A_59, %dma_wait3A_60] : memref<32x400x64xi32, #tpu.memory_space<hbm>> -> memref<1x400x64xi32, #tpu.memory_space<hbm>>
      %dma_wait3A_62 = tpu.memref_squeeze %dma_wait3A_61 : memref<1x400x64xi32, #tpu.memory_space<hbm>> -> memref<400x64xi32, #tpu.memory_space<hbm>>
      %dma_wait3A_63 = arith.constant 0 : i32
      %dma_wait3A_64 = arith.constant 0 : i32
      %dma_wait3A_65 = tpu.memref_slice %arg3[%add3A, %dma_wait3A_63, %dma_wait3A_64] : memref<32x400x64xi32, #tpu.memory_space<hbm>> -> memref<1x400x64xi32, #tpu.memory_space<hbm>>
      %dma_wait3A_66 = tpu.memref_squeeze %dma_wait3A_65 : memref<1x400x64xi32, #tpu.memory_space<hbm>> -> memref<400x64xi32, #tpu.memory_space<hbm>>
      tpu.wait_dma2 semaphore(%run_scoped3A : memref<!tpu.dma_semaphore, #tpu.memory_space<semaphore_mem>>) src(%dma_wait3A_66 : memref<400x64xi32, #tpu.memory_space<hbm>>) dst(%arg5 : memref<400x64xi32, #tpu.memory_space<vmem>>)
      tpu.yield
    }) : () -> ()
    %dma_start3A = arith.constant 0 : i32
    %dma_start3A_3 = arith.constant 0 : i32
    %dma_start3A_4 = tpu.memref_slice %arg5[%dma_start3A, %dma_start3A_3] : memref<400x64xi32, #tpu.memory_space<vmem>> -> memref<1x64xi32, #tpu.memory_space<vmem>>
    %dma_start3A_5 = tpu.memref_squeeze %dma_start3A_4 : memref<1x64xi32, #tpu.memory_space<vmem>> -> memref<64xi32, #tpu.memory_space<vmem>>
    %dma_start3A_6 = arith.constant 0 : i32
    %dma_start3A_7 = arith.constant 0 : i32
    %dma_start3A_8 = tpu.memref_slice %arg2[%dma_start3A_6, %dma_start3A_7] : memref<100000x256xf32, #tpu.memory_space<hbm>> -> memref<100000x256xf32, #tpu.memory_space<hbm>>
    tpu.enqueue_indirect_dma source(%dma_start3A_8 : memref<100000x256xf32, #tpu.memory_space<hbm>>) target(%arg6 : memref<64x256xf32, #tpu.memory_space<vmem>>) offsets(%dma_start3A_5 : memref<64xi32, #tpu.memory_space<vmem>>) semaphore(%arg10 : memref<!tpu.dma_semaphore, #tpu.memory_space<semaphore_mem>>)
    %dma_start3A_9 = arith.constant 1 : i32
    %dma_start3A_10 = arith.constant 0 : i32
    %dma_start3A_11 = tpu.memref_slice %arg5[%dma_start3A_9, %dma_start3A_10] : memref<400x64xi32, #tpu.memory_space<vmem>> -> memref<1x64xi32, #tpu.memory_space<vmem>>
    %dma_start3A_12 = tpu.memref_squeeze %dma_start3A_11 : memref<1x64xi32, #tpu.memory_space<vmem>> -> memref<64xi32, #tpu.memory_space<vmem>>
    %dma_start3A_13 = arith.constant 0 : i32
    %dma_start3A_14 = arith.constant 0 : i32
    %dma_start3A_15 = tpu.memref_slice %arg2[%dma_start3A_13, %dma_start3A_14] : memref<100000x256xf32, #tpu.memory_space<hbm>> -> memref<100000x256xf32, #tpu.memory_space<hbm>>
    tpu.enqueue_indirect_dma source(%dma_start3A_15 : memref<100000x256xf32, #tpu.memory_space<hbm>>) target(%arg7 : memref<64x256xf32, #tpu.memory_space<vmem>>) offsets(%dma_start3A_12 : memref<64xi32, #tpu.memory_space<vmem>>) semaphore(%arg11 : memref<!tpu.dma_semaphore, #tpu.memory_space<semaphore_mem>>)
    %dma_start3A_16 = arith.constant 2 : i32
    %dma_start3A_17 = arith.constant 0 : i32
    %dma_start3A_18 = tpu.memref_slice %arg5[%dma_start3A_16, %dma_start3A_17] : memref<400x64xi32, #tpu.memory_space<vmem>> -> memref<1x64xi32, #tpu.memory_space<vmem>>
    %dma_start3A_19 = tpu.memref_squeeze %dma_start3A_18 : memref<1x64xi32, #tpu.memory_space<vmem>> -> memref<64xi32, #tpu.memory_space<vmem>>
    %dma_start3A_20 = arith.constant 0 : i32
    %dma_start3A_21 = arith.constant 0 : i32
    %dma_start3A_22 = tpu.memref_slice %arg2[%dma_start3A_20, %dma_start3A_21] : memref<100000x256xf32, #tpu.memory_space<hbm>> -> memref<100000x256xf32, #tpu.memory_space<hbm>>
    tpu.enqueue_indirect_dma source(%dma_start3A_22 : memref<100000x256xf32, #tpu.memory_space<hbm>>) target(%arg8 : memref<64x256xf32, #tpu.memory_space<vmem>>) offsets(%dma_start3A_19 : memref<64xi32, #tpu.memory_space<vmem>>) semaphore(%arg12 : memref<!tpu.dma_semaphore, #tpu.memory_space<semaphore_mem>>)
    %scan3A = arith.constant 0 : i32
    %scan3A_23 = arith.constant 0 : i32
    %scan3A_24 = arith.constant 100 : i32
    %scan3A_25 = arith.addi %scan3A_23, %scan3A_24 : i32
    %scan3A_26 = arith.constant 1 : i32
    scf.for %scan3A_51 = %scan3A_23 to %scan3A_25 step %scan3A_26  : i32 {
      %mul3A_52 = arith.constant 4 : i32
      %mul3A_53 = arith.muli %mul3A_52, %scan3A_51 : i32
      %add3A_54 = arith.constant 0 : i32
      %add3A_55 = arith.addi %mul3A_53, %add3A_54 : i32
      %add3A_56 = arith.constant 3 : i32
      %add3A_57 = arith.addi %add3A_55, %add3A_56 : i32
      %lt3A = arith.constant 400 : i32
      %lt3A_58 = arith.cmpi slt, %add3A_57, %lt3A : i32
      %convert_element_type3A = arith.extui %lt3A_58 : i1 to i32
      %cond3A = arith.constant 0 : i32
      %cond3A_59 = arith.cmpi ne, %convert_element_type3A, %cond3A : i32
      scf.if %cond3A_59 {
        %ge3A = arith.constant 4 : i32
        %ge3A_145 = arith.cmpi sge, %add3A_57, %ge3A : i32
        %convert_element_type3A_146 = arith.extui %ge3A_145 : i1 to i32
        %cond3A_147 = arith.constant 0 : i32
        %cond3A_148 = arith.cmpi ne, %convert_element_type3A_146, %cond3A_147 : i32
        scf.if %cond3A_148 {
          %sub3A = arith.constant 4 : i32
          %sub3A_155 = arith.subi %add3A_57, %sub3A : i32
          %mul3A_156 = arith.constant 64 : i32
          %mul3A_157 = arith.muli %sub3A_155, %mul3A_156 : i32
          %add3A_158 = arith.addi %mul3A_2, %mul3A_157 : i32
          %dma_wait3A_159 = arith.constant 0 : i32
          %dma_wait3A_160 = tpu.memref_slice %arg4[%add3A_158, %dma_wait3A_159] : memref<819200x256xf32, #tpu.memory_space<hbm>> -> memref<64x256xf32, #tpu.memory_space<hbm>>
          %dma_wait3A_161 = arith.constant 0 : i32
          %dma_wait3A_162 = tpu.memref_slice %arg4[%add3A_158, %dma_wait3A_161] : memref<819200x256xf32, #tpu.memory_space<hbm>> -> memref<64x256xf32, #tpu.memory_space<hbm>>
          tpu.wait_dma2 semaphore(%arg17 : memref<!tpu.dma_semaphore, #tpu.memory_space<semaphore_mem>>) src(%arg9 : memref<64x256xf32, #tpu.memory_space<vmem>>) dst(%dma_wait3A_162 : memref<64x256xf32, #tpu.memory_space<hbm>>)
        } else {
        }
        %dma_start3A_149 = arith.constant 0 : i32
        %dma_start3A_150 = tpu.memref_slice %arg5[%add3A_57, %dma_start3A_149] : memref<400x64xi32, #tpu.memory_space<vmem>> -> memref<1x64xi32, #tpu.memory_space<vmem>>
        %dma_start3A_151 = tpu.memref_squeeze %dma_start3A_150 : memref<1x64xi32, #tpu.memory_space<vmem>> -> memref<64xi32, #tpu.memory_space<vmem>>
        %dma_start3A_152 = arith.constant 0 : i32
        %dma_start3A_153 = arith.constant 0 : i32
        %dma_start3A_154 = tpu.memref_slice %arg2[%dma_start3A_152, %dma_start3A_153] : memref<100000x256xf32, #tpu.memory_space<hbm>> -> memref<100000x256xf32, #tpu.memory_space<hbm>>
        tpu.enqueue_indirect_dma source(%dma_start3A_154 : memref<100000x256xf32, #tpu.memory_space<hbm>>) target(%arg9 : memref<64x256xf32, #tpu.memory_space<vmem>>) offsets(%dma_start3A_151 : memref<64xi32, #tpu.memory_space<vmem>>) semaphore(%arg13 : memref<!tpu.dma_semaphore, #tpu.memory_space<semaphore_mem>>)
      } else {
      }
      %dma_wait3A_60 = arith.constant 0 : i32
      %dma_wait3A_61 = tpu.memref_slice %arg5[%add3A_55, %dma_wait3A_60] : memref<400x64xi32, #tpu.memory_space<vmem>> -> memref<1x64xi32, #tpu.memory_space<vmem>>
      %dma_wait3A_62 = tpu.memref_squeeze %dma_wait3A_61 : memref<1x64xi32, #tpu.memory_space<vmem>> -> memref<64xi32, #tpu.memory_space<vmem>>
      %dma_wait3A_63 = arith.constant 0 : i32
      %dma_wait3A_64 = arith.constant 0 : i32
      %dma_wait3A_65 = tpu.memref_slice %arg2[%dma_wait3A_63, %dma_wait3A_64] : memref<100000x256xf32, #tpu.memory_space<hbm>> -> memref<100000x256xf32, #tpu.memory_space<hbm>>
      tpu.wait_indirect_dma semaphore(%arg10 : memref<!tpu.dma_semaphore, #tpu.memory_space<semaphore_mem>>) src(%dma_wait3A_65 : memref<100000x256xf32, #tpu.memory_space<hbm>>) dst(%arg6 : memref<64x256xf32, #tpu.memory_space<vmem>>)
      %mul3A_66 = arith.constant 64 : i32
      %mul3A_67 = arith.muli %add3A_55, %mul3A_66 : i32
      %add3A_68 = arith.addi %mul3A_2, %mul3A_67 : i32
      %dma_start3A_69 = arith.constant 0 : i32
      %dma_start3A_70 = tpu.memref_slice %arg4[%add3A_68, %dma_start3A_69] : memref<819200x256xf32, #tpu.memory_space<hbm>> -> memref<64x256xf32, #tpu.memory_space<hbm>>
      %dma_start3A_71 = arith.constant 0 : i32
      %dma_start3A_72 = tpu.memref_slice %arg4[%add3A_68, %dma_start3A_71] : memref<819200x256xf32, #tpu.memory_space<hbm>> -> memref<64x256xf32, #tpu.memory_space<hbm>>
      tpu.enqueue_dma source(%arg6 : memref<64x256xf32, #tpu.memory_space<vmem>>) target(%dma_start3A_72 : memref<64x256xf32, #tpu.memory_space<hbm>>) target_semaphore(%arg14 : memref<!tpu.dma_semaphore, #tpu.memory_space<semaphore_mem>>)
      %mul3A_73 = arith.constant 4 : i32
      %mul3A_74 = arith.muli %mul3A_73, %scan3A_51 : i32
      %add3A_75 = arith.constant 1 : i32
      %add3A_76 = arith.addi %mul3A_74, %add3A_75 : i32
      %add3A_77 = arith.constant 3 : i32
      %add3A_78 = arith.addi %add3A_76, %add3A_77 : i32
      %lt3A_79 = arith.constant 400 : i32
      %lt3A_80 = arith.cmpi slt, %add3A_78, %lt3A_79 : i32
      %convert_element_type3A_81 = arith.extui %lt3A_80 : i1 to i32
      %cond3A_82 = arith.constant 0 : i32
      %cond3A_83 = arith.cmpi ne, %convert_element_type3A_81, %cond3A_82 : i32
      scf.if %cond3A_83 {
        %ge3A = arith.constant 4 : i32
        %ge3A_145 = arith.cmpi sge, %add3A_78, %ge3A : i32
        %convert_element_type3A_146 = arith.extui %ge3A_145 : i1 to i32
        %cond3A_147 = arith.constant 0 : i32
        %cond3A_148 = arith.cmpi ne, %convert_element_type3A_146, %cond3A_147 : i32
        scf.if %cond3A_148 {
          %sub3A = arith.constant 4 : i32
          %sub3A_155 = arith.subi %add3A_78, %sub3A : i32
          %mul3A_156 = arith.constant 64 : i32
          %mul3A_157 = arith.muli %sub3A_155, %mul3A_156 : i32
          %add3A_158 = arith.addi %mul3A_2, %mul3A_157 : i32
          %dma_wait3A_159 = arith.constant 0 : i32
          %dma_wait3A_160 = tpu.memref_slice %arg4[%add3A_158, %dma_wait3A_159] : memref<819200x256xf32, #tpu.memory_space<hbm>> -> memref<64x256xf32, #tpu.memory_space<hbm>>
          %dma_wait3A_161 = arith.constant 0 : i32
          %dma_wait3A_162 = tpu.memref_slice %arg4[%add3A_158, %dma_wait3A_161] : memref<819200x256xf32, #tpu.memory_space<hbm>> -> memref<64x256xf32, #tpu.memory_space<hbm>>
          tpu.wait_dma2 semaphore(%arg14 : memref<!tpu.dma_semaphore, #tpu.memory_space<semaphore_mem>>) src(%arg6 : memref<64x256xf32, #tpu.memory_space<vmem>>) dst(%dma_wait3A_162 : memref<64x256xf32, #tpu.memory_space<hbm>>)
        } else {
        }
        %dma_start3A_149 = arith.constant 0 : i32
        %dma_start3A_150 = tpu.memref_slice %arg5[%add3A_78, %dma_start3A_149] : memref<400x64xi32, #tpu.memory_space<vmem>> -> memref<1x64xi32, #tpu.memory_space<vmem>>
        %dma_start3A_151 = tpu.memref_squeeze %dma_start3A_150 : memref<1x64xi32, #tpu.memory_space<vmem>> -> memref<64xi32, #tpu.memory_space<vmem>>
        %dma_start3A_152 = arith.constant 0 : i32
        %dma_start3A_153 = arith.constant 0 : i32
        %dma_start3A_154 = tpu.memref_slice %arg2[%dma_start3A_152, %dma_start3A_153] : memref<100000x256xf32, #tpu.memory_space<hbm>> -> memref<100000x256xf32, #tpu.memory_space<hbm>>
        tpu.enqueue_indirect_dma source(%dma_start3A_154 : memref<100000x256xf32, #tpu.memory_space<hbm>>) target(%arg6 : memref<64x256xf32, #tpu.memory_space<vmem>>) offsets(%dma_start3A_151 : memref<64xi32, #tpu.memory_space<vmem>>) semaphore(%arg10 : memref<!tpu.dma_semaphore, #tpu.memory_space<semaphore_mem>>)
      } else {
      }
      %dma_wait3A_84 = arith.constant 0 : i32
      %dma_wait3A_85 = tpu.memref_slice %arg5[%add3A_76, %dma_wait3A_84] : memref<400x64xi32, #tpu.memory_space<vmem>> -> memref<1x64xi32, #tpu.memory_space<vmem>>
      %dma_wait3A_86 = tpu.memref_squeeze %dma_wait3A_85 : memref<1x64xi32, #tpu.memory_space<vmem>> -> memref<64xi32, #tpu.memory_space<vmem>>
      %dma_wait3A_87 = arith.constant 0 : i32
      %dma_wait3A_88 = arith.constant 0 : i32
      %dma_wait3A_89 = tpu.memref_slice %arg2[%dma_wait3A_87, %dma_wait3A_88] : memref<100000x256xf32, #tpu.memory_space<hbm>> -> memref<100000x256xf32, #tpu.memory_space<hbm>>
      tpu.wait_indirect_dma semaphore(%arg11 : memref<!tpu.dma_semaphore, #tpu.memory_space<semaphore_mem>>) src(%dma_wait3A_89 : memref<100000x256xf32, #tpu.memory_space<hbm>>) dst(%arg7 : memref<64x256xf32, #tpu.memory_space<vmem>>)
      %mul3A_90 = arith.constant 64 : i32
      %mul3A_91 = arith.muli %add3A_76, %mul3A_90 : i32
      %add3A_92 = arith.addi %mul3A_2, %mul3A_91 : i32
      %dma_start3A_93 = arith.constant 0 : i32
      %dma_start3A_94 = tpu.memref_slice %arg4[%add3A_92, %dma_start3A_93] : memref<819200x256xf32, #tpu.memory_space<hbm>> -> memref<64x256xf32, #tpu.memory_space<hbm>>
      %dma_start3A_95 = arith.constant 0 : i32
      %dma_start3A_96 = tpu.memref_slice %arg4[%add3A_92, %dma_start3A_95] : memref<819200x256xf32, #tpu.memory_space<hbm>> -> memref<64x256xf32, #tpu.memory_space<hbm>>
      tpu.enqueue_dma source(%arg7 : memref<64x256xf32, #tpu.memory_space<vmem>>) target(%dma_start3A_96 : memref<64x256xf32, #tpu.memory_space<hbm>>) target_semaphore(%arg15 : memref<!tpu.dma_semaphore, #tpu.memory_space<semaphore_mem>>)
      %mul3A_97 = arith.constant 4 : i32
      %mul3A_98 = arith.muli %mul3A_97, %scan3A_51 : i32
      %add3A_99 = arith.constant 2 : i32
      %add3A_100 = arith.addi %mul3A_98, %add3A_99 : i32
      %add3A_101 = arith.constant 3 : i32
      %add3A_102 = arith.addi %add3A_100, %add3A_101 : i32
      %lt3A_103 = arith.constant 400 : i32
      %lt3A_104 = arith.cmpi slt, %add3A_102, %lt3A_103 : i32
      %convert_element_type3A_105 = arith.extui %lt3A_104 : i1 to i32
      %cond3A_106 = arith.constant 0 : i32
      %cond3A_107 = arith.cmpi ne, %convert_element_type3A_105, %cond3A_106 : i32
      scf.if %cond3A_107 {
        %ge3A = arith.constant 4 : i32
        %ge3A_145 = arith.cmpi sge, %add3A_102, %ge3A : i32
        %convert_element_type3A_146 = arith.extui %ge3A_145 : i1 to i32
        %cond3A_147 = arith.constant 0 : i32
        %cond3A_148 = arith.cmpi ne, %convert_element_type3A_146, %cond3A_147 : i32
        scf.if %cond3A_148 {
          %sub3A = arith.constant 4 : i32
          %sub3A_155 = arith.subi %add3A_102, %sub3A : i32
          %mul3A_156 = arith.constant 64 : i32
          %mul3A_157 = arith.muli %sub3A_155, %mul3A_156 : i32
          %add3A_158 = arith.addi %mul3A_2, %mul3A_157 : i32
          %dma_wait3A_159 = arith.constant 0 : i32
          %dma_wait3A_160 = tpu.memref_slice %arg4[%add3A_158, %dma_wait3A_159] : memref<819200x256xf32, #tpu.memory_space<hbm>> -> memref<64x256xf32, #tpu.memory_space<hbm>>
          %dma_wait3A_161 = arith.constant 0 : i32
          %dma_wait3A_162 = tpu.memref_slice %arg4[%add3A_158, %dma_wait3A_161] : memref<819200x256xf32, #tpu.memory_space<hbm>> -> memref<64x256xf32, #tpu.memory_space<hbm>>
          tpu.wait_dma2 semaphore(%arg15 : memref<!tpu.dma_semaphore, #tpu.memory_space<semaphore_mem>>) src(%arg7 : memref<64x256xf32, #tpu.memory_space<vmem>>) dst(%dma_wait3A_162 : memref<64x256xf32, #tpu.memory_space<hbm>>)
        } else {
        }
        %dma_start3A_149 = arith.constant 0 : i32
        %dma_start3A_150 = tpu.memref_slice %arg5[%add3A_102, %dma_start3A_149] : memref<400x64xi32, #tpu.memory_space<vmem>> -> memref<1x64xi32, #tpu.memory_space<vmem>>
        %dma_start3A_151 = tpu.memref_squeeze %dma_start3A_150 : memref<1x64xi32, #tpu.memory_space<vmem>> -> memref<64xi32, #tpu.memory_space<vmem>>
        %dma_start3A_152 = arith.constant 0 : i32
        %dma_start3A_153 = arith.constant 0 : i32
        %dma_start3A_154 = tpu.memref_slice %arg2[%dma_start3A_152, %dma_start3A_153] : memref<100000x256xf32, #tpu.memory_space<hbm>> -> memref<100000x256xf32, #tpu.memory_space<hbm>>
        tpu.enqueue_indirect_dma source(%dma_start3A_154 : memref<100000x256xf32, #tpu.memory_space<hbm>>) target(%arg7 : memref<64x256xf32, #tpu.memory_space<vmem>>) offsets(%dma_start3A_151 : memref<64xi32, #tpu.memory_space<vmem>>) semaphore(%arg11 : memref<!tpu.dma_semaphore, #tpu.memory_space<semaphore_mem>>)
      } else {
      }
      %dma_wait3A_108 = arith.constant 0 : i32
      %dma_wait3A_109 = tpu.memref_slice %arg5[%add3A_100, %dma_wait3A_108] : memref<400x64xi32, #tpu.memory_space<vmem>> -> memref<1x64xi32, #tpu.memory_space<vmem>>
      %dma_wait3A_110 = tpu.memref_squeeze %dma_wait3A_109 : memref<1x64xi32, #tpu.memory_space<vmem>> -> memref<64xi32, #tpu.memory_space<vmem>>
      %dma_wait3A_111 = arith.constant 0 : i32
      %dma_wait3A_112 = arith.constant 0 : i32
      %dma_wait3A_113 = tpu.memref_slice %arg2[%dma_wait3A_111, %dma_wait3A_112] : memref<100000x256xf32, #tpu.memory_space<hbm>> -> memref<100000x256xf32, #tpu.memory_space<hbm>>
      tpu.wait_indirect_dma semaphore(%arg12 : memref<!tpu.dma_semaphore, #tpu.memory_space<semaphore_mem>>) src(%dma_wait3A_113 : memref<100000x256xf32, #tpu.memory_space<hbm>>) dst(%arg8 : memref<64x256xf32, #tpu.memory_space<vmem>>)
      %mul3A_114 = arith.constant 64 : i32
      %mul3A_115 = arith.muli %add3A_100, %mul3A_114 : i32
      %add3A_116 = arith.addi %mul3A_2, %mul3A_115 : i32
      %dma_start3A_117 = arith.constant 0 : i32
      %dma_start3A_118 = tpu.memref_slice %arg4[%add3A_116, %dma_start3A_117] : memref<819200x256xf32, #tpu.memory_space<hbm>> -> memref<64x256xf32, #tpu.memory_space<hbm>>
      %dma_start3A_119 = arith.constant 0 : i32
      %dma_start3A_120 = tpu.memref_slice %arg4[%add3A_116, %dma_start3A_119] : memref<819200x256xf32, #tpu.memory_space<hbm>> -> memref<64x256xf32, #tpu.memory_space<hbm>>
      tpu.enqueue_dma source(%arg8 : memref<64x256xf32, #tpu.memory_space<vmem>>) target(%dma_start3A_120 : memref<64x256xf32, #tpu.memory_space<hbm>>) target_semaphore(%arg16 : memref<!tpu.dma_semaphore, #tpu.memory_space<semaphore_mem>>)
      %mul3A_121 = arith.constant 4 : i32
      %mul3A_122 = arith.muli %mul3A_121, %scan3A_51 : i32
      %add3A_123 = arith.constant 3 : i32
      %add3A_124 = arith.addi %mul3A_122, %add3A_123 : i32
      %add3A_125 = arith.constant 3 : i32
      %add3A_126 = arith.addi %add3A_124, %add3A_125 : i32
      %lt3A_127 = arith.constant 400 : i32
      %lt3A_128 = arith.cmpi slt, %add3A_126, %lt3A_127 : i32
      %convert_element_type3A_129 = arith.extui %lt3A_128 : i1 to i32
      %cond3A_130 = arith.constant 0 : i32
      %cond3A_131 = arith.cmpi ne, %convert_element_type3A_129, %cond3A_130 : i32
      scf.if %cond3A_131 {
        %ge3A = arith.constant 4 : i32
        %ge3A_145 = arith.cmpi sge, %add3A_126, %ge3A : i32
        %convert_element_type3A_146 = arith.extui %ge3A_145 : i1 to i32
        %cond3A_147 = arith.constant 0 : i32
        %cond3A_148 = arith.cmpi ne, %convert_element_type3A_146, %cond3A_147 : i32
        scf.if %cond3A_148 {
          %sub3A = arith.constant 4 : i32
          %sub3A_155 = arith.subi %add3A_126, %sub3A : i32
          %mul3A_156 = arith.constant 64 : i32
          %mul3A_157 = arith.muli %sub3A_155, %mul3A_156 : i32
          %add3A_158 = arith.addi %mul3A_2, %mul3A_157 : i32
          %dma_wait3A_159 = arith.constant 0 : i32
          %dma_wait3A_160 = tpu.memref_slice %arg4[%add3A_158, %dma_wait3A_159] : memref<819200x256xf32, #tpu.memory_space<hbm>> -> memref<64x256xf32, #tpu.memory_space<hbm>>
          %dma_wait3A_161 = arith.constant 0 : i32
          %dma_wait3A_162 = tpu.memref_slice %arg4[%add3A_158, %dma_wait3A_161] : memref<819200x256xf32, #tpu.memory_space<hbm>> -> memref<64x256xf32, #tpu.memory_space<hbm>>
          tpu.wait_dma2 semaphore(%arg16 : memref<!tpu.dma_semaphore, #tpu.memory_space<semaphore_mem>>) src(%arg8 : memref<64x256xf32, #tpu.memory_space<vmem>>) dst(%dma_wait3A_162 : memref<64x256xf32, #tpu.memory_space<hbm>>)
        } else {
        }
        %dma_start3A_149 = arith.constant 0 : i32
        %dma_start3A_150 = tpu.memref_slice %arg5[%add3A_126, %dma_start3A_149] : memref<400x64xi32, #tpu.memory_space<vmem>> -> memref<1x64xi32, #tpu.memory_space<vmem>>
        %dma_start3A_151 = tpu.memref_squeeze %dma_start3A_150 : memref<1x64xi32, #tpu.memory_space<vmem>> -> memref<64xi32, #tpu.memory_space<vmem>>
        %dma_start3A_152 = arith.constant 0 : i32
        %dma_start3A_153 = arith.constant 0 : i32
        %dma_start3A_154 = tpu.memref_slice %arg2[%dma_start3A_152, %dma_start3A_153] : memref<100000x256xf32, #tpu.memory_space<hbm>> -> memref<100000x256xf32, #tpu.memory_space<hbm>>
        tpu.enqueue_indirect_dma source(%dma_start3A_154 : memref<100000x256xf32, #tpu.memory_space<hbm>>) target(%arg8 : memref<64x256xf32, #tpu.memory_space<vmem>>) offsets(%dma_start3A_151 : memref<64xi32, #tpu.memory_space<vmem>>) semaphore(%arg12 : memref<!tpu.dma_semaphore, #tpu.memory_space<semaphore_mem>>)
      } else {
      }
      %dma_wait3A_132 = arith.constant 0 : i32
      %dma_wait3A_133 = tpu.memref_slice %arg5[%add3A_124, %dma_wait3A_132] : memref<400x64xi32, #tpu.memory_space<vmem>> -> memref<1x64xi32, #tpu.memory_space<vmem>>
      %dma_wait3A_134 = tpu.memref_squeeze %dma_wait3A_133 : memref<1x64xi32, #tpu.memory_space<vmem>> -> memref<64xi32, #tpu.memory_space<vmem>>
      %dma_wait3A_135 = arith.constant 0 : i32
      %dma_wait3A_136 = arith.constant 0 : i32
      %dma_wait3A_137 = tpu.memref_slice %arg2[%dma_wait3A_135, %dma_wait3A_136] : memref<100000x256xf32, #tpu.memory_space<hbm>> -> memref<100000x256xf32, #tpu.memory_space<hbm>>
      tpu.wait_indirect_dma semaphore(%arg13 : memref<!tpu.dma_semaphore, #tpu.memory_space<semaphore_mem>>) src(%dma_wait3A_137 : memref<100000x256xf32, #tpu.memory_space<hbm>>) dst(%arg9 : memref<64x256xf32, #tpu.memory_space<vmem>>)
      %mul3A_138 = arith.constant 64 : i32
      %mul3A_139 = arith.muli %add3A_124, %mul3A_138 : i32
      %add3A_140 = arith.addi %mul3A_2, %mul3A_139 : i32
      %dma_start3A_141 = arith.constant 0 : i32
      %dma_start3A_142 = tpu.memref_slice %arg4[%add3A_140, %dma_start3A_141] : memref<819200x256xf32, #tpu.memory_space<hbm>> -> memref<64x256xf32, #tpu.memory_space<hbm>>
      %dma_start3A_143 = arith.constant 0 : i32
      %dma_start3A_144 = tpu.memref_slice %arg4[%add3A_140, %dma_start3A_143] : memref<819200x256xf32, #tpu.memory_space<hbm>> -> memref<64x256xf32, #tpu.memory_space<hbm>>
      tpu.enqueue_dma source(%arg9 : memref<64x256xf32, #tpu.memory_space<vmem>>) target(%dma_start3A_144 : memref<64x256xf32, #tpu.memory_space<hbm>>) target_semaphore(%arg17 : memref<!tpu.dma_semaphore, #tpu.memory_space<semaphore_mem>>)
    }
    %scan3A_27 = arith.constant 100 : i32
    %add3A_28 = arith.constant 25344 : i32
    %add3A_29 = arith.addi %mul3A_2, %add3A_28 : i32
    %dma_wait3A = arith.constant 0 : i32
    %dma_wait3A_30 = tpu.memref_slice %arg4[%add3A_29, %dma_wait3A] : memref<819200x256xf32, #tpu.memory_space<hbm>> -> memref<64x256xf32, #tpu.memory_space<hbm>>
    %dma_wait3A_31 = arith.constant 0 : i32
    %dma_wait3A_32 = tpu.memref_slice %arg4[%add3A_29, %dma_wait3A_31] : memref<819200x256xf32, #tpu.memory_space<hbm>> -> memref<64x256xf32, #tpu.memory_space<hbm>>
    tpu.wait_dma2 semaphore(%arg14 : memref<!tpu.dma_semaphore, #tpu.memory_space<semaphore_mem>>) src(%arg6 : memref<64x256xf32, #tpu.memory_space<vmem>>) dst(%dma_wait3A_32 : memref<64x256xf32, #tpu.memory_space<hbm>>)
    %add3A_33 = arith.constant 25408 : i32
    %add3A_34 = arith.addi %mul3A_2, %add3A_33 : i32
    %dma_wait3A_35 = arith.constant 0 : i32
    %dma_wait3A_36 = tpu.memref_slice %arg4[%add3A_34, %dma_wait3A_35] : memref<819200x256xf32, #tpu.memory_space<hbm>> -> memref<64x256xf32, #tpu.memory_space<hbm>>
    %dma_wait3A_37 = arith.constant 0 : i32
    %dma_wait3A_38 = tpu.memref_slice %arg4[%add3A_34, %dma_wait3A_37] : memref<819200x256xf32, #tpu.memory_space<hbm>> -> memref<64x256xf32, #tpu.memory_space<hbm>>
    tpu.wait_dma2 semaphore(%arg15 : memref<!tpu.dma_semaphore, #tpu.memory_space<semaphore_mem>>) src(%arg7 : memref<64x256xf32, #tpu.memory_space<vmem>>) dst(%dma_wait3A_38 : memref<64x256xf32, #tpu.memory_space<hbm>>)
    %add3A_39 = arith.constant 25472 : i32
    %add3A_40 = arith.addi %mul3A_2, %add3A_39 : i32
    %dma_wait3A_41 = arith.constant 0 : i32
    %dma_wait3A_42 = tpu.memref_slice %arg4[%add3A_40, %dma_wait3A_41] : memref<819200x256xf32, #tpu.memory_space<hbm>> -> memref<64x256xf32, #tpu.memory_space<hbm>>
    %dma_wait3A_43 = arith.constant 0 : i32
    %dma_wait3A_44 = tpu.memref_slice %arg4[%add3A_40, %dma_wait3A_43] : memref<819200x256xf32, #tpu.memory_space<hbm>> -> memref<64x256xf32, #tpu.memory_space<hbm>>
    tpu.wait_dma2 semaphore(%arg16 : memref<!tpu.dma_semaphore, #tpu.memory_space<semaphore_mem>>) src(%arg8 : memref<64x256xf32, #tpu.memory_space<vmem>>) dst(%dma_wait3A_44 : memref<64x256xf32, #tpu.memory_space<hbm>>)
    %add3A_45 = arith.constant 25536 : i32
    %add3A_46 = arith.addi %mul3A_2, %add3A_45 : i32
    %dma_wait3A_47 = arith.constant 0 : i32
    %dma_wait3A_48 = tpu.memref_slice %arg4[%add3A_46, %dma_wait3A_47] : memref<819200x256xf32, #tpu.memory_space<hbm>> -> memref<64x256xf32, #tpu.memory_space<hbm>>
    %dma_wait3A_49 = arith.constant 0 : i32
    %dma_wait3A_50 = tpu.memref_slice %arg4[%add3A_46, %dma_wait3A_49] : memref<819200x256xf32, #tpu.memory_space<hbm>> -> memref<64x256xf32, #tpu.memory_space<hbm>>
    tpu.wait_dma2 semaphore(%arg17 : memref<!tpu.dma_semaphore, #tpu.memory_space<semaphore_mem>>) src(%arg9 : memref<64x256xf32, #tpu.memory_space<vmem>>) dst(%dma_wait3A_50 : memref<64x256xf32, #tpu.memory_space<hbm>>)
    return
  }
}

</mosaic_0001>

<sc_bundles>
// kernel: _sc_lookup.3.cloned.1.call-start
scs
__scs_entry_jumppad:
0x0: {  	(pc) =	sbr.rel $0x88, $3  }
0x1: {  	(tag) =	ssettag $0x0;
	lr =	simm.s32 $0x1  }
0x2: {  	[smem:$0x3F9F] =	sst lr;
	_ =	strace $0xD0000000  }
0x3: {  	_ = 	snop  }
0x4: {  	_ = 	snop  }
0x5: {  	_ = 	snop  }
0x6: {  	_ = 	snop  }
0x7: {  	_ = 	snop  }
__scs_overlays_trampoline_lowered:
0x8: {  	[smem:$0x3FAE] =	sst s0  }
0x9: {  	[smem:$0x3FAF] =	sst s1  }
0xa: {  	[smem:$0x3FB0] =	sst s2  }
0xb: {  	[smem:$0x3FB1] =	sst s3  }
0xc: {  	[smem:$0x3FB2] =	sst s4  }
0xd: {  	[smem:$0x3FB3] =	sst s5  }
0xe: {  	[smem:$0x3FB4] =	sst s6  }
0xf: {  	[smem:$0x3FB5] =	sst s7  }
0x10: {  	[smem:$0x3FB6] =	sst s8  }
0x11: {  	[smem:$0x3FB7] =	sst s9;
	s0 =	simm.s32 @!p0 $0x0  }
0x12: {  	s1 =	sld [smem:$0x3F9D];
	s0 =	simm.s32 @p0 $0x1  }
0x13: {  	[smem:$0x3FB8] =	sst s0;
	s0 =	simm.s32 @!p1 $0x0  }
0x14: {  	s2 =	sld [smem:$0x3F9C];
	s0 =	simm.s32 @p1 $0x1  }
0x15: {  	[smem:$0x3FB9] =	sst s0;
	s0 =	simm.s32 @!p2 $0x0  }
0x16: {  	s3 =	sld [smem:$0x3FDB];
	s0 =	simm.s32 @p2 $0x1  }
0x17: {  	s4 =	simm.s32 $0x1BF5;
	[smem:$0x3FBB] =	sst s0  }
0x18: {  	s0 =	sld [smem:$0x3F9E];
	_ =	swait.ge [sflag:s4], $0x0  }
0x19: {  	s7 =	sld [smem:$0x3F9F]  }
0x1a: {  	s8 =	sadd.s32 $0xFFFFE003, lr  }
0x1b: {  	s9 =	sadd.s32 $0xFFFFFEF7, lr;
	s5 =	simm.s32 $0xFFFFFFFF;
	p2 =	slt.u32 s8, $0xFFFFF086  }
0x1c: {  	p1 =	slt.u32 s9, $0xF7A;
	s5 =	simm.s32 @!p2 $0x0  }
0x1d: {  	s5 =	simm.s32 @p1 $0x1;
	p0 =	seq.s32 s7, s2  }
0x1e: {  	s7 =	smul.u32 @!p0 $0xF7A, s2;
	p2 =	seq.s32 @!p0 s5, $0x0  }
0x1f: {  	s9 =	smul.u32 $0xF7A, s1;
	s8 =	simm.s32 @!p0 $0x1BF5;
	p2 =	por !p2, p0  }
0x20: {  	[sflag:s8] =	ssyncset.s32 @!p0 $0xFFFFF086;
	s6 =	sadd.s32 @!p0 s3, s7;
	s7 =	simm.s32 @!p0 $0x108  }
0x21: {  	s3 =	sadd.s32 s3, s9;
	s6 =	sadd.s32 @!p0 $0x88, s6;
	s7 =	simm.s32 @p2 $0x1082  }
0x22: {  	[simem:s7], [sflag:s8] =	dma.local @!p0 [hbm:s6], $0xF7A  }
0x23: {  	s9 =	sor.u32 $0xD0000000, s2;
	s6 =	simm.s32 $0x108;
	_ =	swait.ge @!p0 [sflag:s8], $0x0  }
0x24: {  	s3 =	sadd.s32 $0x88, s3;
	s6 =	simm.s32 @!p1 $0x1082;
	[sflag:s4] =	ssyncset.s32 $0xFFFFF086  }
0x25: {  	[simem:s6], [sflag:s4] =	dma.local [hbm:s3], $0xF7A  }
0x26: {  	[smem:$0x3F9F] =	sst s1;
	(tag) =	ssettag s2;
	_ =	strace s9  }
0x27: {  	s1 =	sld [smem:$0x3FAF]  }
0x28: {  	s2 =	sld [smem:$0x3FB0]  }
0x29: {  	s4 =	sld [smem:$0x3FB2]  }
0x2a: {  	p0 =	seq.s32 s5, $0x0;
	s5 =	sld [smem:$0x3FB3]  }
0x2b: {  	s6 =	sld [smem:$0x3FB4]  }
0x2c: {  	s7 =	sld [smem:$0x3FB5]  }
0x2d: {  	s3 =	simm.s32 $0x108;
	s8 =	sld [smem:$0x3FB6]  }
0x2e: {  	s3 =	simm.s32 @!p0 $0x1082;
	s9 =	sld [smem:$0x3FB7]  }
0x2f: {  	lr =	sadd.s32 s0, s3;
	s0 =	sld [smem:$0x3FAE]  }
0x30: {  	s3 =	sld [smem:$0x3FB1]  }
0x31: {  	[smem:$0x3FBA] =	sst s10  }
0x32: {  	s10 =	sld [smem:$0x3FB8];
	_ =	sdelay $0x3  }
0x33: {  	p0 =	seq.s32 s10, $0x1;
	s10 =	sld [smem:$0x3FBA];
	_ =	sdelay $0x3  }
0x34: {  	[smem:$0x3FBA] =	sst s10  }
0x35: {  	s10 =	sld [smem:$0x3FB9];
	_ =	sdelay $0x3  }
0x36: {  	p1 =	seq.s32 s10, $0x1;
	s10 =	sld [smem:$0x3FBA];
	_ =	sdelay $0x3  }
0x37: {  	[smem:$0x3FBA] =	sst s10  }
0x38: {  	s10 =	sld [smem:$0x3FBB]  }
0x39: {  	_ = 	snop;
	(pc) =	sbr.ind lr, $3  }
0x3a: {  	_ = 	snop  }
0x3b: {  	_ = 	snop  }
0x3c: {  	p2 =	seq.s32 s10, $0x1;
	s10 =	sld [smem:$0x3FBA]  }
0x3d: {  	_ =	shalt  }
0x3e: {  	_ =	shalt  }
0x3f: {  	_ =	shalt  }
0x40: {  	_ =	shalt  }
0x41: {  	_ =	shalt  }
0x42: {  	_ =	shalt  }
0x43: {  	_ =	shalt  }
0x44: {  	_ =	shalt  }
0x45: {  	_ =	shalt  }
0x46: {  	_ =	shalt  }
0x47: {  	_ =	shalt  }
0x48: {  	_ =	shalt  }
0x49: {  	_ =	shalt  }
0x4a: {  	_ =	shalt  }
0x4b: {  	_ =	shalt  }
0x4c: {  	_ =	shalt  }
0x4d: {  	_ =	shalt  }
0x4e: {  	_ =	shalt  }
0x4f: {  	_ =	shalt  }
0x50: {  	_ =	shalt  }
0x51: {  	_ =	shalt  }
0x52: {  	_ =	shalt  }
0x53: {  	_ =	shalt  }
0x54: {  	_ =	shalt  }
0x55: {  	_ =	shalt  }
0x56: {  	_ =	shalt  }
0x57: {  	_ =	shalt  }
0x58: {  	_ =	shalt  }
0x59: {  	_ =	shalt  }
0x5a: {  	_ =	shalt  }
0x5b: {  	_ =	shalt  }
0x5c: {  	_ =	shalt  }
0x5d: {  	_ =	shalt  }
0x5e: {  	_ =	shalt  }
0x5f: {  	_ =	shalt  }
0x60: {  	_ =	shalt  }
0x61: {  	_ =	shalt  }
0x62: {  	_ =	shalt  }
0x63: {  	_ =	shalt  }
0x64: {  	_ =	shalt  }
0x65: {  	_ =	shalt  }
0x66: {  	_ =	shalt  }
0x67: {  	_ =	shalt  }
0x68: {  	_ =	shalt  }
0x69: {  	_ =	shalt  }
0x6a: {  	_ =	shalt  }
0x6b: {  	_ =	shalt  }
0x6c: {  	_ =	shalt  }
0x6d: {  	_ =	shalt  }
0x6e: {  	_ =	shalt  }
0x6f: {  	_ =	shalt  }
0x70: {  	_ =	shalt  }
0x71: {  	_ =	shalt  }
0x72: {  	_ =	shalt  }
0x73: {  	_ =	shalt  }
0x74: {  	_ =	shalt  }
0x75: {  	_ =	shalt  }
0x76: {  	_ =	shalt  }
0x77: {  	_ =	shalt  }
0x78: {  	_ =	shalt  }
0x79: {  	_ =	shalt  }
0x7a: {  	_ =	shalt  }
0x7b: {  	_ =	shalt  }
0x7c: {  	_ =	shalt  }
0x7d: {  	_ =	shalt  }
0x7e: {  	_ =	shalt  }
0x7f: {  	_ =	shalt  }
0x80: {  	_ =	shalt  }
0x81: {  	_ =	shalt  }
0x82: {  	_ =	shalt  }
0x83: {  	_ =	shalt  }
0x84: {  	_ =	shalt  }
0x85: {  	_ =	shalt  }
0x86: {  	_ =	shalt  }
0x87: {  	_ =	shalt  }
.Lfunc_end0:
.L_simem_size_0:
called_computation_lowered:
.L_overlay_start_0:
0x88: {  	s2 =	sld [smem:$0x3FD9]  }
0x89: {  	s3 =	sld [smem:$0x3FFE];
	_ =	sdelay $0x1  }
0x8a: {  	s1 =	srdreg.scid  }
0x8b: {  	s0 =	sand.u32 $0x1, s1  }
0x8c: {  	s17 =	sshll.u32 s0, $0xA;
	s2 =	sadd.s32 s3, s2  }
0x8d: {  	s2 =	sadd.s32 s2, s17  }
0x8e: {  	[smem:$0x3FC6] =	sst s2  }
0x8f: {  	_ = 	snop  }
0x90: {  	s2 =	sld [smem:$0x3FC9]  }
0x91: {  	s18 =	sld [smem:$0x3FD0];
	(tm) =	ssettm $0x1  }
0x92: {  	s4 =	sld [smem:$0x3FFB];
	_ =	sdelay $0x3  }
0x93: {  	_ =	strace s4  }
0x94: {  	s4 =	sld [smem:$0x3FFC];
	_ =	sdelay $0x3  }
0x95: {  	_ =	strace s4  }
0x96: {  	s4 =	sld [smem:$0x3FFD];
	_ =	sdelay $0x3  }
0x97: {  	_ =	strace s4  }
0x98: {  	_ =	strace $0x8FFFFFFF  }
0x99: {  	s19 =	sld [smem:$0x3FDB];
	_ =	sdelay $0x1  }
0x9a: {  	s5 =	simm.s32 $_scs_section_size  }
0x9b: {  	s6 =	simm.s32 $_size__tile_overlayer_lowered;
	s7 =	simm.s32 $_tile_overlayer_lowered  }
0x9c: {  	s22 =	simm.s32 $0x1BFF;
	s21 =	sshll.u32 s7, $0x1;
	s4 =	sadd.s32 s5, s19  }
0x9d: {  	s8 =	simm.s32 $0x0;
	s20 =	sshll.u32 s6, $0x1;
	s6 =	sadd.s32 s21, s4  }
0x9e: {  	[timem:s8], [sflag:s22] =	dma.local [hbm:s6], s20  }
0x9f: {  	_ =	swait.ge [sflag:s22], s20  }
0xa0: {  	s5 =	ssub.s32 $0x0, s20;
	[sflag:s22] =	ssyncset.done $0x0  }
0xa1: {  	[sflag:s22] =	ssyncadd.s32 s5;
	_ =	sdelay $0x1  }
0xa2: {  	s23 =	simm.s32 $0x1B8B  }
0xa3: {  	_ =	swait.ge [sflag:s23], $0x1  }
0xa4: {  	[sflag:s23] =	ssyncset.done $0x0  }
0xa5: {  	s25 =	simm.s32 $0x1B8E;
	s24 =	sld [smem:$0x3FFE];
	[sflag:s23] =	ssyncadd.s32 $0xFFFFFFFF  }
0xa6: {  	s26 =	simm.s32 $execute0_lowered;
	[smem:$0x3FD2] =	sst s25  }
0xa7: {  	s6 =	sshll.u32 s26, $0x1;
	_ =	strace $0x80000046;
	[dreg:$0x1] =	wrdreg $0xFFFFFFFF  }
0xa8: {  	s28 =	simm.s32 $_size_execute0_lowered;
	s4 =	sadd.s32 s4, s6;
	[dreg:$0x0] =	wrdreg $0x0  }
0xa9: {  	s6 =	sshll.u32 s28, $0x1;
	[dreg:$0x2] =	wrdreg s4  }
0xaa: {  	[dreg:$0x3] =	wrdreg s6  }
0xab: {  	[dreg:$0x4] =	wrdreg $0xC0  }
0xac: {  	_ =	task [dreg:s8], $0x5FFFF  }
0xad: {  	[dreg:$0x1] =	wrdreg $0xFFFFFFFF  }
0xae: {  	[dreg:$0x0] =	wrdreg $0x60  }
0xaf: {  	[dreg:$0x2] =	wrdreg s2  }
0xb0: {  	[dreg:$0x3] =	wrdreg s24  }
0xb1: {  	[dreg:$0x4] =	wrdreg s18  }
0xb2: {  	[dreg:$0x5] =	wrdreg $0x9  }
0xb3: {  	_ =	task.clear_ibuf [dreg:s8], $0x6FFFF;
	_ =	strace $0x90000046  }
0xb4: {  	s29 =	simm.s32 $0x9;
	_ =	strace $0x80000048  }
0xb5: {  	_ =	swait.ge [sflag:s29], $0x1  }
0xb6: {  	[sflag:s29] =	ssyncadd.s32 $0xFFFFFFFF  }
0xb7: {  	_ =	strace $0x90000048  }
0xb8: {  	_ =	sfence  }
0xb9: {  	s30 =	sld [smem:$0x0];
	_ =	sdelay $0x2  }
0xba: {  	s31 =	sshll.u32 s1, $0xD;
	s1 =	sshrl.u32 s1, $0x2  }
0xbb: {  	s3 =	sand.u32 $0x4000, s31;
	s1 =	sadd.s32 s1, s30  }
0xbc: {  	s0 =	sor.u32 s3, s0;
	s1 =	sshll.u32 s1, $0x11  }
0xbd: {  	s0 =	sor.u32 s1, s0  }
0xbe: {  	s0 =	sadd.s32 $0x8F2B, s0  }
0xbf: {  	[sflag:s0] =	ssyncadd.remote.s32 $0x1  }
0xc0: {  	_ =	sfence.sel $0xFFFF  }
0xc1: {  	[dreg:$0x0] =	wrdreg $0xFFFFFFFF;
	(pc) =	sbr.abs _section_cstart, $3  }
0xc2: {  	[dreg:$0x1] =	wrdreg $0xFFFFFFFF  }
0xc3: {  	_ =	task.clear_ibuf [dreg:s8], $0x2FFFF;
	_ =	strace $0x9FFFFFFF  }
0xc4: {  	(tm) =	ssettm $0x7FFFFFFF  }
0xc5: {  	_ =	shalt  }
tec
execute0_lowered:
.L_overlay_start_1:
0x0: {  	(tag) =	ssettag $0x1  }
0x1: {  	s1 =	rddreg [dreg:$0x0];
	s0 =	srdreg.scid  }
0x2: {  	s10 =	stileid.u32;
	s2 =	rddreg [dreg:$0x1]  }
0x3: {  	s4 =	rddreg [dreg:$0x2];
	s11 =	simm.s32 $0xC800;
	s19 =	simm.s32 $0x10800  }
0x4: {  	s28 =	simm.s32 $0x14800;
	s12 =	simm.s32 $0x17800;
	s13 =	simm.s32 $0x18000  }
0x5: {  	s14 =	simm.s32 $0x18800;
	s15 =	simm.s32 $0x19000;
	s16 =	simm.s32 $0x19800  }
0x6: {  	s17 =	simm.s32 $0x1A000;
	s18 =	simm.s32 $0x1A800;
	s9 =	smul.u32 $0xC80000, s10  }
0x7: {  	s20 =	simm.s32 $0x1;
	s0 =	sand.u32 $0x1, s0;
	s26 =	smul.u32 $0x190000, s10  }
0x8: {  	s30 =	simm.s32 $0x0;
	s3 =	sshll.u32 s10, $0x1;
	s22 =	smul.u32 $0x640000, s0  }
0x9: {  	s5 =	sor.u32 s0, s3;
	s7 =	ssub.s32 $0x2, s0;
	s0 =	smul.u32 $0xC8000, s0  }
0xa: {  	s10 =	simm.s32 $0x1C000;
	s3 =	simm.s32 $0x0;
	s6 =	smul.u32 $0x1900, s5  }
0xb: {  	s5 =	smul.u32 $0xC8000, s5;
	[smem:$0x7FF] =	sst s3;
	s8 =	sshrl.u32 s7, $0x1  }
0xc: {  	s31 =	sadd.s32 s26, s4;
	s21 =	ssub.s32 s7, s8;
	_ =	strace $0x80000047  }
0xd: {  	s25 =	sadd.s32 s22, s9;
	s8 =	sadd.s32 s0, s31;
	s0 =	simm.s32 $0x17000  }
0xe: {  	s22 =	simm.s32 $0x3;
	s2 =	sadd.s32 s6, s2;
	s23 =	smax.u32 s21, $0x1  }
0xf: {  	s24 =	sadd.s32 s4, s5;
	s29 =	sor.u32 $0xC000, s25;
	s5 =	sshrl.u32 s25, $0x3  }
.Ltmp0:
0x10: {  	s21 =	simm.s32 $0x2;
	s25 =	simm.s32 $0x7;
	(pc) =	sbr.rel .LBB2_1-.Ltmp0, $4  }
0x11: {  	s2 =	sadd.s32 $0x400, s2;
	[dreg:$0x5] =	wrdreg s23;
	s6 =	sadd.s32 $0xC7000, s24  }
0x12: {  	v2 =	vlaneseq.u32;
	s9 =	sadd.s32 s5, s4;
	s5 =	simm.s32 $0x1B800;
	s23 =	simm.s32 $0x4  }
0x13: {  	vm0 =	vmmov $0xffff;
	v1 =	vshrl.u32 v2, $0x3;
	s24 =	simm.s32 $0x6;
	[dreg:$0x4] =	wrdreg s2;
	s2 =	sshrl.u32 s29, $0x3  }
0x14: {  	v0 =	vand.u32 $0x7, v2;
	v2 =	vor.u32 $0x8, v2;
	v1 =	vmul.u32 $0x8, v1;
	s7 =	sadd.s32 s2, s4;
	s2 =	simm.s32 $0x16800;
	s4 =	simm.s32 $0x1B000  }
.LBB2_6:
0x15: {  	s26 =	simm.s32 $0x5  }
0x16: {  	_ =	swait.ge [sflag:s26], $0x4000  }
0x17: {  	[sflag:s26] =	ssyncset.done $0x0  }
0x18: {  	[sflag:s26] =	ssyncadd.s32 $0xFFFFC000  }
0x19: {  	_ =	swait.ge [sflag:s24], $0x4000  }
0x1a: {  	[sflag:s24] =	ssyncset.done $0x0  }
0x1b: {  	[sflag:s24] =	ssyncadd.s32 $0xFFFFC000  }
0x1c: {  	_ =	swait.ge [sflag:s25], $0x4000  }
0x1d: {  	[sflag:s25] =	ssyncset.done $0x0  }
0x1e: {  	s29 =	simm.s32 $0x8;
	[sflag:s25] =	ssyncadd.s32 $0xFFFFC000  }
0x1f: {  	_ =	swait.ge [sflag:s29], $0x4000  }
0x20: {  	s30 =	rddreg [dreg:$0x6]  }
0x21: {  	s31 =	rddreg [dreg:$0x5];
	s30 =	sadd.s32 $0x1, s30  }
0x22: {  	p0 =	sne.s32 s30, s31  }
.Ltmp1:
0x23: {  	_ = 	snop;
	(pc) =	sbr.rel @!p0 .LBB2_7-.Ltmp1, $3  }
0x24: {  	_ =	sdelay $0x1  }
0x25: {  	[sflag:s29] =	ssyncset.done $0x0  }
0x26: {  	[sflag:s29] =	ssyncadd.s32 $0xFFFFC000  }
.LBB2_1:
0x27: {  	[dreg:$0x6] =	wrdreg s30  }
0x28: {  	s26 =	rddreg [dreg:$0x4];
	s30 =	simm.s32 $0x9  }
0x29: {  	[tilespmem:s3], [sflag:$0x9] =	stream.linear.gather [hbm4b:s26+s3], $0xC800, $0x38;
	[tilespmem:$0x1C800] =	vst v63  }
0x2a: {  	_ =	swait.ge [sflag:s30], $0xC800  }
0x2b: {  	[sflag:s30] =	ssyncset.done $0x0  }
0x2c: {  	[sflag:s30] =	ssyncadd.s32 $0xFFFF3800  }
0x2d: {  	v3 =	vld [tilespmem:$0x0];
	_ =	sdelay $0x4  }
0x2e: {  	v4 =	vshll.u32 v3, $0x1  }
0x2f: {  	v3 =	vand.u32 $0x7, v3;
	v4 =	vand.u32 $0xFFFFFFF0, v4  }
0x30: {  	v3 =	vor.u32 v3, v4  }
0x31: {  	v4 =	vperm.xlane v3, v0;
	_ =	sdelay $0x1  }
0x32: {  	v3 =	vperm.xlane v3, v2;
	v4 =	vadd.s32 v1, v4;
	_ =	sdelay $0x1  }
0x33: {  	v3 =	vadd.s32 v1, v3;
	_ =	sdelay $0x2  }
0x34: {  	[tilespmem:s11], [sflag:$0x1] =	stream.indirect_vreg.gather [hbm4b:s1+s3], $0x80, v4, vm0, $0xb8;
	[tilespmem:$0x1C800] =	vst v63  }
0x35: {  	s31 =	simm.s32 $0xD000  }
0x36: {  	[tilespmem:s31], [sflag:$0x1] =	stream.indirect_vreg.gather [hbm4b:s1+s3], $0x80, v3, vm0, $0xb8;
	[tilespmem:$0x1C800] =	vst v63  }
0x37: {  	v3 =	vld [tilespmem:$0x10];
	_ =	sdelay $0x4  }
0x38: {  	v53 =	vshll.u32 v3, $0x1  }
0x39: {  	v3 =	vand.u32 $0x7, v3;
	v4 =	vand.u32 $0xFFFFFFF0, v53  }
0x3a: {  	v3 =	vor.u32 v3, v4  }
0x3b: {  	v4 =	vperm.xlane v3, v0;
	_ =	sdelay $0x1  }
0x3c: {  	v3 =	vperm.xlane v3, v2;
	v4 =	vadd.s32 v1, v4;
	_ =	sdelay $0x1  }
0x3d: {  	v3 =	vadd.s32 v1, v3;
	_ =	sdelay $0x1  }
0x3e: {  	s30 =	simm.s32 $0xD800  }
0x3f: {  	[tilespmem:s30], [sflag:$0x1] =	stream.indirect_vreg.gather [hbm4b:s1+s3], $0x80, v4, vm0, $0xb8;
	[tilespmem:$0x1C800] =	vst v63  }
0x40: {  	s31 =	simm.s32 $0xE000  }
0x41: {  	[tilespmem:s31], [sflag:$0x1] =	stream.indirect_vreg.gather [hbm4b:s1+s3], $0x80, v3, vm0, $0xb8;
	[tilespmem:$0x1C800] =	vst v63  }
0x42: {  	v3 =	vld [tilespmem:$0x20];
	_ =	sdelay $0x4  }
0x43: {  	v54 =	vshll.u32 v3, $0x1  }
0x44: {  	v3 =	vand.u32 $0x7, v3;
	v4 =	vand.u32 $0xFFFFFFF0, v54  }
0x45: {  	v3 =	vor.u32 v3, v4  }
0x46: {  	v4 =	vperm.xlane v3, v0;
	_ =	sdelay $0x1  }
0x47: {  	v3 =	vperm.xlane v3, v2;
	v4 =	vadd.s32 v1, v4;
	_ =	sdelay $0x1  }
0x48: {  	v3 =	vadd.s32 v1, v3;
	_ =	sdelay $0x1  }
0x49: {  	s30 =	simm.s32 $0xE800  }
0x4a: {  	[tilespmem:s30], [sflag:$0x1] =	stream.indirect_vreg.gather [hbm4b:s1+s3], $0x80, v4, vm0, $0xb8;
	[tilespmem:$0x1C800] =	vst v63  }
0x4b: {  	s31 =	simm.s32 $0xF000  }
0x4c: {  	[tilespmem:s31], [sflag:$0x1] =	stream.indirect_vreg.gather [hbm4b:s1+s3], $0x80, v3, vm0, $0xb8;
	[tilespmem:$0x1C800] =	vst v63  }
0x4d: {  	v3 =	vld [tilespmem:$0x30];
	_ =	sdelay $0x4  }
0x4e: {  	v55 =	vshll.u32 v3, $0x1  }
0x4f: {  	v3 =	vand.u32 $0x7, v3;
	v4 =	vand.u32 $0xFFFFFFF0, v55  }
0x50: {  	v3 =	vor.u32 v3, v4  }
0x51: {  	v4 =	vperm.xlane v3, v0;
	_ =	sdelay $0x1  }
0x52: {  	v3 =	vperm.xlane v3, v2;
	v4 =	vadd.s32 v1, v4;
	_ =	sdelay $0x1  }
0x53: {  	v3 =	vadd.s32 v1, v3;
	_ =	sdelay $0x1  }
0x54: {  	s30 =	simm.s32 $0xF800  }
0x55: {  	[tilespmem:s30], [sflag:$0x1] =	stream.indirect_vreg.gather [hbm4b:s1+s3], $0x80, v4, vm0, $0xb8;
	[tilespmem:$0x1C800] =	vst v63  }
0x56: {  	s31 =	simm.s32 $0x10000  }
0x57: {  	[tilespmem:s31], [sflag:$0x1] =	stream.indirect_vreg.gather [hbm4b:s1+s3], $0x80, v3, vm0, $0xb8;
	[tilespmem:$0x1C800] =	vst v63  }
0x58: {  	v3 =	vld [tilespmem:$0x80];
	_ =	sdelay $0x4  }
0x59: {  	v56 =	vshll.u32 v3, $0x1  }
0x5a: {  	v3 =	vand.u32 $0x7, v3;
	v4 =	vand.u32 $0xFFFFFFF0, v56  }
0x5b: {  	v3 =	vor.u32 v3, v4  }
0x5c: {  	v4 =	vperm.xlane v3, v0;
	_ =	sdelay $0x1  }
0x5d: {  	v3 =	vperm.xlane v3, v2;
	v4 =	vadd.s32 v1, v4;
	_ =	sdelay $0x1  }
0x5e: {  	v3 =	vadd.s32 v1, v3;
	_ =	sdelay $0x2  }
0x5f: {  	[tilespmem:s19], [sflag:$0x2] =	stream.indirect_vreg.gather [hbm4b:s1+s3], $0x80, v4, vm0, $0xb8;
	[tilespmem:$0x1C800] =	vst v63  }
0x60: {  	s30 =	simm.s32 $0x11000  }
0x61: {  	[tilespmem:s30], [sflag:$0x2] =	stream.indirect_vreg.gather [hbm4b:s1+s3], $0x80, v3, vm0, $0xb8;
	[tilespmem:$0x1C800] =	vst v63  }
0x62: {  	v3 =	vld [tilespmem:$0x90];
	_ =	sdelay $0x4  }
0x63: {  	v57 =	vshll.u32 v3, $0x1  }
0x64: {  	v3 =	vand.u32 $0x7, v3;
	v4 =	vand.u32 $0xFFFFFFF0, v57  }
0x65: {  	v3 =	vor.u32 v3, v4  }
0x66: {  	v4 =	vperm.xlane v3, v0;
	_ =	sdelay $0x1  }
0x67: {  	v3 =	vperm.xlane v3, v2;
	v4 =	vadd.s32 v1, v4;
	_ =	sdelay $0x1  }
0x68: {  	v3 =	vadd.s32 v1, v3;
	_ =	sdelay $0x1  }
0x69: {  	s31 =	simm.s32 $0x11800  }
0x6a: {  	[tilespmem:s31], [sflag:$0x2] =	stream.indirect_vreg.gather [hbm4b:s1+s3], $0x80, v4, vm0, $0xb8;
	[tilespmem:$0x1C800] =	vst v63  }
0x6b: {  	s30 =	simm.s32 $0x12000  }
0x6c: {  	[tilespmem:s30], [sflag:$0x2] =	stream.indirect_vreg.gather [hbm4b:s1+s3], $0x80, v3, vm0, $0xb8;
	[tilespmem:$0x1C800] =	vst v63  }
0x6d: {  	v3 =	vld [tilespmem:$0xA0];
	_ =	sdelay $0x4  }
0x6e: {  	v58 =	vshll.u32 v3, $0x1  }
0x6f: {  	v3 =	vand.u32 $0x7, v3;
	v4 =	vand.u32 $0xFFFFFFF0, v58  }
0x70: {  	v3 =	vor.u32 v3, v4  }
0x71: {  	v4 =	vperm.xlane v3, v0;
	_ =	sdelay $0x1  }
0x72: {  	v3 =	vperm.xlane v3, v2;
	v4 =	vadd.s32 v1, v4;
	_ =	sdelay $0x1  }
0x73: {  	v3 =	vadd.s32 v1, v3;
	_ =	sdelay $0x1  }
0x74: {  	s31 =	simm.s32 $0x12800  }
0x75: {  	[tilespmem:s31], [sflag:$0x2] =	stream.indirect_vreg.gather [hbm4b:s1+s3], $0x80, v4, vm0, $0xb8;
	[tilespmem:$0x1C800] =	vst v63  }
0x76: {  	s30 =	simm.s32 $0x13000  }
0x77: {  	[tilespmem:s30], [sflag:$0x2] =	stream.indirect_vreg.gather [hbm4b:s1+s3], $0x80, v3, vm0, $0xb8;
	[tilespmem:$0x1C800] =	vst v63  }
0x78: {  	v3 =	vld [tilespmem:$0xB0];
	_ =	sdelay $0x4  }
0x79: {  	v59 =	vshll.u32 v3, $0x1  }
0x7a: {  	v3 =	vand.u32 $0x7, v3;
	v4 =	vand.u32 $0xFFFFFFF0, v59  }
0x7b: {  	v3 =	vor.u32 v3, v4  }
0x7c: {  	v4 =	vperm.xlane v3, v0;
	_ =	sdelay $0x1  }
0x7d: {  	v3 =	vperm.xlane v3, v2;
	v4 =	vadd.s32 v1, v4;
	_ =	sdelay $0x1  }
0x7e: {  	v3 =	vadd.s32 v1, v3;
	_ =	sdelay $0x1  }
0x7f: {  	s31 =	simm.s32 $0x13800  }
0x80: {  	[tilespmem:s31], [sflag:$0x2] =	stream.indirect_vreg.gather [hbm4b:s1+s3], $0x80, v4, vm0, $0xb8;
	[tilespmem:$0x1C800] =	vst v63  }
0x81: {  	s30 =	simm.s32 $0x14000  }
0x82: {  	[tilespmem:s30], [sflag:$0x2] =	stream.indirect_vreg.gather [hbm4b:s1+s3], $0x80, v3, vm0, $0xb8;
	[tilespmem:$0x1C800] =	vst v63  }
0x83: {  	v3 =	vld [tilespmem:$0x100];
	_ =	sdelay $0x4  }
0x84: {  	v60 =	vshll.u32 v3, $0x1  }
0x85: {  	v3 =	vand.u32 $0x7, v3;
	v4 =	vand.u32 $0xFFFFFFF0, v60  }
0x86: {  	v3 =	vor.u32 v3, v4  }
0x87: {  	v4 =	vperm.xlane v3, v0;
	_ =	sdelay $0x1  }
0x88: {  	v3 =	vperm.xlane v3, v2;
	v4 =	vadd.s32 v1, v4;
	_ =	sdelay $0x1  }
0x89: {  	v3 =	vadd.s32 v1, v3;
	_ =	sdelay $0x2  }
0x8a: {  	[tilespmem:s28], [sflag:$0x3] =	stream.indirect_vreg.gather [hbm4b:s1+s3], $0x80, v4, vm0, $0xb8;
	[tilespmem:$0x1C800] =	vst v63  }
0x8b: {  	s31 =	simm.s32 $0x15000  }
0x8c: {  	[tilespmem:s31], [sflag:$0x3] =	stream.indirect_vreg.gather [hbm4b:s1+s3], $0x80, v3, vm0, $0xb8;
	[tilespmem:$0x1C800] =	vst v63  }
0x8d: {  	v3 =	vld [tilespmem:$0x110];
	_ =	sdelay $0x4  }
0x8e: {  	v61 =	vshll.u32 v3, $0x1  }
0x8f: {  	v3 =	vand.u32 $0x7, v3;
	v4 =	vand.u32 $0xFFFFFFF0, v61  }
0x90: {  	v3 =	vor.u32 v3, v4  }
0x91: {  	v4 =	vperm.xlane v3, v0;
	_ =	sdelay $0x1  }
0x92: {  	v3 =	vperm.xlane v3, v2;
	v4 =	vadd.s32 v1, v4;
	_ =	sdelay $0x1  }
0x93: {  	v3 =	vadd.s32 v1, v3;
	_ =	sdelay $0x1  }
0x94: {  	s30 =	simm.s32 $0x15800  }
0x95: {  	[tilespmem:s30], [sflag:$0x3] =	stream.indirect_vreg.gather [hbm4b:s1+s3], $0x80, v4, vm0, $0xb8;
	[tilespmem:$0x1C800] =	vst v63  }
0x96: {  	s31 =	simm.s32 $0x16000  }
0x97: {  	[tilespmem:s31], [sflag:$0x3] =	stream.indirect_vreg.gather [hbm4b:s1+s3], $0x80, v3, vm0, $0xb8;
	[tilespmem:$0x1C800] =	vst v63  }
0x98: {  	v3 =	vld [tilespmem:$0x120];
	_ =	sdelay $0x4  }
0x99: {  	v62 =	vshll.u32 v3, $0x1  }
0x9a: {  	v3 =	vand.u32 $0x7, v3;
	v4 =	vand.u32 $0xFFFFFFF0, v62  }
0x9b: {  	v3 =	vor.u32 v3, v4  }
0x9c: {  	v4 =	vperm.xlane v3, v0;
	_ =	sdelay $0x1  }
0x9d: {  	v3 =	vperm.xlane v3, v2;
	v4 =	vadd.s32 v1, v4;
	_ =	sdelay $0x1  }
0x9e: {  	v3 =	vadd.s32 v1, v3;
	_ =	sdelay $0x2  }
0x9f: {  	[tilespmem:s2], [sflag:$0x3] =	stream.indirect_vreg.gather [hbm4b:s1+s3], $0x80, v4, vm0, $0xb8;
	[tilespmem:$0x1C800] =	vst v63  }
0xa0: {  	_ = 	snop  }
0xa1: {  	[tilespmem:s0], [sflag:$0x3] =	stream.indirect_vreg.gather [hbm4b:s1+s3], $0x80, v3, vm0, $0xb8;
	[tilespmem:$0x1C800] =	vst v63  }
0xa2: {  	v3 =	vld [tilespmem:$0x130];
	_ =	sdelay $0x4  }
0xa3: {  	v63 =	vshll.u32 v3, $0x1  }
0xa4: {  	v3 =	vand.u32 $0x7, v3;
	v4 =	vand.u32 $0xFFFFFFF0, v63  }
0xa5: {  	v3 =	vor.u32 v3, v4  }
0xa6: {  	v4 =	vperm.xlane v3, v0;
	_ =	sdelay $0x1  }
0xa7: {  	v3 =	vperm.xlane v3, v2;
	v4 =	vadd.s32 v1, v4;
	_ =	sdelay $0x1  }
0xa8: {  	v3 =	vadd.s32 v1, v3  }
.Ltmp2:
0xa9: {  	_ = 	snop;
	(pc) =	sbr.rel .LBB2_2-.Ltmp2, $4  }
0xaa: {  	_ = 	snop  }
0xab: {  	[tilespmem:s12], [sflag:$0x3] =	stream.indirect_vreg.gather [hbm4b:s1+s3], $0x80, v4, vm0, $0xb8;
	[tilespmem:$0x1C800] =	vst v63  }
0xac: {  	s29 =	simm.s32 $0x0;
	s26 =	simm.s32 $0x1A0  }
0xad: {  	[tilespmem:s13], [sflag:$0x3] =	stream.indirect_vreg.gather [hbm4b:s1+s3], $0x80, v3, vm0, $0xb8;
	[tilespmem:$0x1C800] =	vst v63  }
.LBB2_4:
0xae: {  	_ =	swait.ge [sflag:s22], $0x4000  }
0xaf: {  	[sflag:s22] =	ssyncset.done $0x0  }
0xb0: {  	[sflag:s22] =	ssyncadd.s32 $0xFFFFC000  }
0xb1: {  	[hbm4b:s6+s3] =	stream.linear.scatter [tilespmem:s28], [sflag:$0x7], $0x4000, $0x38;
	[tilespmem:$0x1C800] =	vst v63  }
.LBB2_5:
0xb2: {  	s30 =	sadd.s32 s29, s7;
	s29 =	sadd.s32 $0x2000, s29  }
0xb3: {  	p0 =	sne.s32 s29, $0xC8000  }
.Ltmp3:
0xb4: {  	_ = 	snop;
	(pc) =	sbr.rel @!p0 .LBB2_6-.Ltmp3, $4  }
0xb5: {  	_ =	swait.ge [sflag:s23], $0x4000  }
0xb6: {  	[sflag:s23] =	ssyncset.done $0x0  }
0xb7: {  	s26 =	sadd.s32 $0x200, s26;
	[sflag:s23] =	ssyncadd.s32 $0xFFFFC000  }
0xb8: {  	[hbm4b:s30+s3] =	stream.linear.scatter [tilespmem:s14], [sflag:$0x8], $0x4000, $0x38;
	[tilespmem:$0x1C800] =	vst v63  }
.LBB2_2:
0xb9: {  	p0 =	seq.s32 s29, $0x0  }
0xba: {  	s30 =	simm.s32 @!p0 $0x8  }
0xbb: {  	_ =	swait.ge @!p0 [sflag:s30], $0x4000  }
0xbc: {  	[sflag:s30] =	ssyncset.done @!p0 $0x0  }
0xbd: {  	[sflag:s30] =	ssyncadd.s32 @!p0 $0xFFFFC000  }
0xbe: {  	v3 =	vld [tilespmem:s26+$0xFFFFFFE0];
	_ =	sdelay $0x4  }
0xbf: {  	v4 =	vshll.u32 v3, $0x1  }
0xc0: {  	v3 =	vand.u32 $0x7, v3;
	v4 =	vand.u32 $0xFFFFFFF0, v4  }
0xc1: {  	v3 =	vor.u32 v3, v4  }
0xc2: {  	v4 =	vperm.xlane v3, v0;
	_ =	sdelay $0x1  }
0xc3: {  	v3 =	vperm.xlane v3, v2;
	v4 =	vadd.s32 v1, v4;
	_ =	sdelay $0x1  }
0xc4: {  	v3 =	vadd.s32 v1, v3;
	_ =	sdelay $0x2  }
0xc5: {  	[tilespmem:s14], [sflag:$0x4] =	stream.indirect_vreg.gather [hbm4b:s1+s3], $0x80, v4, vm0, $0xb8;
	[tilespmem:$0x1C800] =	vst v63  }
0xc6: {  	_ = 	snop  }
0xc7: {  	[tilespmem:s15], [sflag:$0x4] =	stream.indirect_vreg.gather [hbm4b:s1+s3], $0x80, v3, vm0, $0xb8;
	[tilespmem:$0x1C800] =	vst v63  }
0xc8: {  	v3 =	vld [tilespmem:s26+$0xFFFFFFF0];
	_ =	sdelay $0x4  }
0xc9: {  	v61 =	vshll.u32 v3, $0x1  }
0xca: {  	v3 =	vand.u32 $0x7, v3;
	v4 =	vand.u32 $0xFFFFFFF0, v61  }
0xcb: {  	v3 =	vor.u32 v3, v4  }
0xcc: {  	v4 =	vperm.xlane v3, v0;
	_ =	sdelay $0x1  }
0xcd: {  	v3 =	vperm.xlane v3, v2;
	v4 =	vadd.s32 v1, v4;
	_ =	sdelay $0x1  }
0xce: {  	v3 =	vadd.s32 v1, v3;
	_ =	sdelay $0x2  }
0xcf: {  	[tilespmem:s16], [sflag:$0x4] =	stream.indirect_vreg.gather [hbm4b:s1+s3], $0x80, v4, vm0, $0xb8;
	[tilespmem:$0x1C800] =	vst v63  }
0xd0: {  	_ = 	snop  }
0xd1: {  	[tilespmem:s17], [sflag:$0x4] =	stream.indirect_vreg.gather [hbm4b:s1+s3], $0x80, v3, vm0, $0xb8;
	[tilespmem:$0x1C800] =	vst v63  }
0xd2: {  	v3 =	vld [tilespmem:s26+$0x0];
	_ =	sdelay $0x4  }
0xd3: {  	v62 =	vshll.u32 v3, $0x1  }
0xd4: {  	v3 =	vand.u32 $0x7, v3;
	v4 =	vand.u32 $0xFFFFFFF0, v62  }
0xd5: {  	v3 =	vor.u32 v3, v4  }
0xd6: {  	v4 =	vperm.xlane v3, v0;
	_ =	sdelay $0x1  }
0xd7: {  	v3 =	vperm.xlane v3, v2;
	v4 =	vadd.s32 v1, v4;
	_ =	sdelay $0x1  }
0xd8: {  	v3 =	vadd.s32 v1, v3;
	_ =	sdelay $0x2  }
0xd9: {  	[tilespmem:s18], [sflag:$0x4] =	stream.indirect_vreg.gather [hbm4b:s1+s3], $0x80, v4, vm0, $0xb8;
	[tilespmem:$0x1C800] =	vst v63  }
0xda: {  	_ = 	snop  }
0xdb: {  	[tilespmem:s4], [sflag:$0x4] =	stream.indirect_vreg.gather [hbm4b:s1+s3], $0x80, v3, vm0, $0xb8;
	[tilespmem:$0x1C800] =	vst v63  }
0xdc: {  	v3 =	vld [tilespmem:s26+$0x10];
	_ =	sdelay $0x4  }
0xdd: {  	v63 =	vshll.u32 v3, $0x1  }
0xde: {  	v3 =	vand.u32 $0x7, v3;
	v4 =	vand.u32 $0xFFFFFFF0, v63  }
0xdf: {  	v3 =	vor.u32 v3, v4  }
0xe0: {  	v4 =	vperm.xlane v3, v0;
	_ =	sdelay $0x1  }
0xe1: {  	v3 =	vperm.xlane v3, v2;
	v4 =	vadd.s32 v1, v4;
	_ =	sdelay $0x1  }
0xe2: {  	v3 =	vadd.s32 v1, v3;
	_ =	sdelay $0x2  }
0xe3: {  	[tilespmem:s5], [sflag:$0x4] =	stream.indirect_vreg.gather [hbm4b:s1+s3], $0x80, v4, vm0, $0xb8;
	[tilespmem:$0x1C800] =	vst v63  }
0xe4: {  	_ = 	snop  }
0xe5: {  	[tilespmem:s10], [sflag:$0x4] =	stream.indirect_vreg.gather [hbm4b:s1+s3], $0x80, v3, vm0, $0xb8;
	[tilespmem:$0x1C800] =	vst v63  }
0xe6: {  	_ =	swait.ge [sflag:s20], $0x4000  }
0xe7: {  	[sflag:s20] =	ssyncset.done $0x0  }
0xe8: {  	s30 =	sadd.s32 s29, s9;
	p0 =	seq.s32 s29, $0xC6000;
	[sflag:s20] =	ssyncadd.s32 $0xFFFFC000  }
0xe9: {  	[hbm4b:s30+s3] =	stream.linear.scatter [tilespmem:s11], [sflag:$0x5], $0x4000, $0x38;
	[tilespmem:$0x1C800] =	vst v63  }
0xea: {  	s30 =	simm.s32 @!p0 $0x5  }
0xeb: {  	_ =	swait.ge @!p0 [sflag:s30], $0x4000  }
0xec: {  	[sflag:s30] =	ssyncset.done @!p0 $0x0  }
0xed: {  	[sflag:s30] =	ssyncadd.s32 @!p0 $0xFFFFC000  }
0xee: {  	v3 =	vld @!p0 [tilespmem:s26+$0x60];
	_ =	sdelay $0x4  }
0xef: {  	v4 =	vshll.u32 @!p0 v3, $0x1  }
0xf0: {  	v5 =	vlaneseq.u32 @!p0;
	v3 =	vand.u32 @!p0 $0x7, v3;
	v4 =	vand.u32 @!p0 $0xFFFFFFF0, v4  }
0xf1: {  	v6 =	vshrl.u32 @!p0 v5, $0x3;
	v3 =	vor.u32 @!p0 v3, v4;
	v4 =	vand.u32 @!p0 $0x7, v5  }
0xf2: {  	v6 =	vmul.u32 @!p0 $0x8, v6;
	v7 =	vperm.xlane @!p0 v3, v4  }
0xf3: {  	v5 =	vor.u32 @!p0 $0x8, v5  }
0xf4: {  	v3 =	vperm.xlane @!p0 v3, v5;
	v7 =	vadd.s32 @!p0 v6, v7;
	_ =	sdelay $0x1  }
0xf5: {  	v3 =	vadd.s32 @!p0 v6, v3;
	_ =	sdelay $0x1  }
0xf6: {  	vm1 =	vmmov @!p0 $0xffff;
	s31 =	simm.s32 @!p0 $0xC800;
	s30 =	simm.s32 @!p0 $0x0  }
0xf7: {  	[tilespmem:s31], [sflag:$0x1] =	stream.indirect_vreg.gather @!p0 [hbm4b:s1+s30], $0x80, v7, vm1, $0xb8;
	[tilespmem:$0x1C800] =	vst v63  }
0xf8: {  	s31 =	simm.s32 @!p0 $0xD000  }
0xf9: {  	[tilespmem:s31], [sflag:$0x1] =	stream.indirect_vreg.gather @!p0 [hbm4b:s1+s30], $0x80, v3, vm1, $0xb8;
	[tilespmem:$0x1C800] =	vst v63  }
0xfa: {  	v3 =	vld @!p0 [tilespmem:s26+$0x70];
	_ =	sdelay $0x4  }
0xfb: {  	v7 =	vshll.u32 @!p0 v3, $0x1  }
0xfc: {  	v3 =	vand.u32 @!p0 $0x7, v3;
	v7 =	vand.u32 @!p0 $0xFFFFFFF0, v7  }
0xfd: {  	v3 =	vor.u32 @!p0 v3, v7  }
0xfe: {  	v7 =	vperm.xlane @!p0 v3, v4;
	_ =	sdelay $0x1  }
0xff: {  	v3 =	vperm.xlane @!p0 v3, v5;
	v7 =	vadd.s32 @!p0 v6, v7;
	_ =	sdelay $0x1  }
0x100: {  	v3 =	vadd.s32 @!p0 v6, v3;
	_ =	sdelay $0x1  }
0x101: {  	s31 =	simm.s32 @!p0 $0xD800  }
0x102: {  	[tilespmem:s31], [sflag:$0x1] =	stream.indirect_vreg.gather @!p0 [hbm4b:s1+s30], $0x80, v7, vm1, $0xb8;
	[tilespmem:$0x1C800] =	vst v63  }
0x103: {  	s31 =	simm.s32 @!p0 $0xE000  }
0x104: {  	[tilespmem:s31], [sflag:$0x1] =	stream.indirect_vreg.gather @!p0 [hbm4b:s1+s30], $0x80, v3, vm1, $0xb8;
	[tilespmem:$0x1C800] =	vst v63  }
0x105: {  	v3 =	vld @!p0 [tilespmem:s26+$0x80];
	_ =	sdelay $0x4  }
0x106: {  	v7 =	vshll.u32 @!p0 v3, $0x1  }
0x107: {  	v3 =	vand.u32 @!p0 $0x7, v3;
	v7 =	vand.u32 @!p0 $0xFFFFFFF0, v7  }
0x108: {  	v3 =	vor.u32 @!p0 v3, v7  }
0x109: {  	v7 =	vperm.xlane @!p0 v3, v4;
	_ =	sdelay $0x1  }
0x10a: {  	v3 =	vperm.xlane @!p0 v3, v5;
	v7 =	vadd.s32 @!p0 v6, v7;
	_ =	sdelay $0x1  }
0x10b: {  	v3 =	vadd.s32 @!p0 v6, v3;
	_ =	sdelay $0x1  }
0x10c: {  	s31 =	simm.s32 @!p0 $0xE800  }
0x10d: {  	[tilespmem:s31], [sflag:$0x1] =	stream.indirect_vreg.gather @!p0 [hbm4b:s1+s30], $0x80, v7, vm1, $0xb8;
	[tilespmem:$0x1C800] =	vst v63  }
0x10e: {  	s31 =	simm.s32 @!p0 $0xF000  }
0x10f: {  	[tilespmem:s31], [sflag:$0x1] =	stream.indirect_vreg.gather @!p0 [hbm4b:s1+s30], $0x80, v3, vm1, $0xb8;
	[tilespmem:$0x1C800] =	vst v63  }
0x110: {  	v3 =	vld @!p0 [tilespmem:s26+$0x90];
	_ =	sdelay $0x4  }
0x111: {  	v7 =	vshll.u32 @!p0 v3, $0x1  }
0x112: {  	v3 =	vand.u32 @!p0 $0x7, v3;
	v7 =	vand.u32 @!p0 $0xFFFFFFF0, v7  }
0x113: {  	v3 =	vor.u32 @!p0 v3, v7  }
0x114: {  	v4 =	vperm.xlane @!p0 v3, v4;
	_ =	sdelay $0x1  }
0x115: {  	v3 =	vperm.xlane @!p0 v3, v5;
	v4 =	vadd.s32 @!p0 v6, v4;
	_ =	sdelay $0x1  }
0x116: {  	v3 =	vadd.s32 @!p0 v6, v3;
	_ =	sdelay $0x1  }
0x117: {  	s31 =	simm.s32 @!p0 $0xF800  }
0x118: {  	[tilespmem:s31], [sflag:$0x1] =	stream.indirect_vreg.gather @!p0 [hbm4b:s1+s30], $0x80, v4, vm1, $0xb8;
	[tilespmem:$0x1C800] =	vst v63  }
0x119: {  	s31 =	simm.s32 @!p0 $0x10000  }
0x11a: {  	[tilespmem:s31], [sflag:$0x1] =	stream.indirect_vreg.gather @!p0 [hbm4b:s1+s30], $0x80, v3, vm1, $0xb8;
	[tilespmem:$0x1C800] =	vst v63  }
.Ltmp4:
0x11b: {  	_ = 	snop;
	(pc) =	sbr.rel @p0 .LBB2_4-.Ltmp4, $4  }
0x11c: {  	_ =	swait.ge [sflag:s21], $0x4000  }
0x11d: {  	s30 =	sadd.s32 s29, s8;
	[sflag:s21] =	ssyncset.done $0x0  }
0x11e: {  	s31 =	sadd.s32 $0x800, s30;
	[sflag:s21] =	ssyncadd.s32 $0xFFFFC000  }
0x11f: {  	[hbm4b:s31+s3] =	stream.linear.scatter [tilespmem:s19], [sflag:$0x6], $0x4000, $0x38;
	[tilespmem:$0x1C800] =	vst v63  }
0x120: {  	_ =	swait.ge [sflag:s24], $0x4000  }
0x121: {  	[sflag:s24] =	ssyncset.done $0x0  }
0x122: {  	[sflag:s24] =	ssyncadd.s32 $0xFFFFC000  }
0x123: {  	v3 =	vld [tilespmem:s26+$0xE0];
	_ =	sdelay $0x4  }
0x124: {  	v4 =	vshll.u32 v3, $0x1  }
0x125: {  	v3 =	vand.u32 $0x7, v3;
	v4 =	vand.u32 $0xFFFFFFF0, v4  }
0x126: {  	v3 =	vor.u32 v3, v4  }
0x127: {  	v4 =	vperm.xlane v3, v0;
	_ =	sdelay $0x1  }
0x128: {  	v3 =	vperm.xlane v3, v2;
	v4 =	vadd.s32 v1, v4;
	_ =	sdelay $0x1  }
0x129: {  	v3 =	vadd.s32 v1, v3;
	_ =	sdelay $0x2  }
0x12a: {  	[tilespmem:s19], [sflag:$0x2] =	stream.indirect_vreg.gather [hbm4b:s1+s3], $0x80, v4, vm0, $0xb8;
	[tilespmem:$0x1C800] =	vst v63  }
0x12b: {  	s31 =	simm.s32 $0x11000  }
0x12c: {  	[tilespmem:s31], [sflag:$0x2] =	stream.indirect_vreg.gather [hbm4b:s1+s3], $0x80, v3, vm0, $0xb8;
	[tilespmem:$0x1C800] =	vst v63  }
0x12d: {  	v3 =	vld [tilespmem:s26+$0xF0];
	_ =	sdelay $0x4  }
0x12e: {  	v57 =	vshll.u32 v3, $0x1  }
0x12f: {  	v3 =	vand.u32 $0x7, v3;
	v4 =	vand.u32 $0xFFFFFFF0, v57  }
0x130: {  	v3 =	vor.u32 v3, v4  }
0x131: {  	v4 =	vperm.xlane v3, v0;
	_ =	sdelay $0x1  }
0x132: {  	v3 =	vperm.xlane v3, v2;
	v4 =	vadd.s32 v1, v4;
	_ =	sdelay $0x1  }
0x133: {  	v3 =	vadd.s32 v1, v3;
	_ =	sdelay $0x1  }
0x134: {  	s31 =	simm.s32 $0x11800  }
0x135: {  	[tilespmem:s31], [sflag:$0x2] =	stream.indirect_vreg.gather [hbm4b:s1+s3], $0x80, v4, vm0, $0xb8;
	[tilespmem:$0x1C800] =	vst v63  }
0x136: {  	s31 =	simm.s32 $0x12000  }
0x137: {  	[tilespmem:s31], [sflag:$0x2] =	stream.indirect_vreg.gather [hbm4b:s1+s3], $0x80, v3, vm0, $0xb8;
	[tilespmem:$0x1C800] =	vst v63  }
0x138: {  	v3 =	vld [tilespmem:s26+$0x100];
	_ =	sdelay $0x4  }
0x139: {  	v58 =	vshll.u32 v3, $0x1  }
0x13a: {  	v3 =	vand.u32 $0x7, v3;
	v4 =	vand.u32 $0xFFFFFFF0, v58  }
0x13b: {  	v3 =	vor.u32 v3, v4  }
0x13c: {  	v4 =	vperm.xlane v3, v0;
	_ =	sdelay $0x1  }
0x13d: {  	v3 =	vperm.xlane v3, v2;
	v4 =	vadd.s32 v1, v4;
	_ =	sdelay $0x1  }
0x13e: {  	v3 =	vadd.s32 v1, v3;
	_ =	sdelay $0x1  }
0x13f: {  	s31 =	simm.s32 $0x12800  }
0x140: {  	[tilespmem:s31], [sflag:$0x2] =	stream.indirect_vreg.gather [hbm4b:s1+s3], $0x80, v4, vm0, $0xb8;
	[tilespmem:$0x1C800] =	vst v63  }
0x141: {  	s31 =	simm.s32 $0x13000  }
0x142: {  	[tilespmem:s31], [sflag:$0x2] =	stream.indirect_vreg.gather [hbm4b:s1+s3], $0x80, v3, vm0, $0xb8;
	[tilespmem:$0x1C800] =	vst v63  }
0x143: {  	v3 =	vld [tilespmem:s26+$0x110];
	_ =	sdelay $0x4  }
0x144: {  	v59 =	vshll.u32 v3, $0x1  }
0x145: {  	v3 =	vand.u32 $0x7, v3;
	v4 =	vand.u32 $0xFFFFFFF0, v59  }
0x146: {  	v3 =	vor.u32 v3, v4  }
0x147: {  	v4 =	vperm.xlane v3, v0;
	_ =	sdelay $0x1  }
0x148: {  	v3 =	vperm.xlane v3, v2;
	v4 =	vadd.s32 v1, v4;
	_ =	sdelay $0x1  }
0x149: {  	v3 =	vadd.s32 v1, v3;
	_ =	sdelay $0x1  }
0x14a: {  	s31 =	simm.s32 $0x13800  }
0x14b: {  	[tilespmem:s31], [sflag:$0x2] =	stream.indirect_vreg.gather [hbm4b:s1+s3], $0x80, v4, vm0, $0xb8;
	[tilespmem:$0x1C800] =	vst v63  }
0x14c: {  	s31 =	simm.s32 $0x14000  }
0x14d: {  	[tilespmem:s31], [sflag:$0x2] =	stream.indirect_vreg.gather [hbm4b:s1+s3], $0x80, v3, vm0, $0xb8;
	[tilespmem:$0x1C800] =	vst v63  }
0x14e: {  	_ =	swait.ge [sflag:s22], $0x4000  }
0x14f: {  	[sflag:s22] =	ssyncset.done $0x0  }
0x150: {  	s30 =	sadd.s32 $0x1000, s30;
	[sflag:s22] =	ssyncadd.s32 $0xFFFFC000  }
0x151: {  	[hbm4b:s30+s3] =	stream.linear.scatter [tilespmem:s28], [sflag:$0x7], $0x4000, $0x38;
	[tilespmem:$0x1C800] =	vst v63  }
0x152: {  	_ =	swait.ge [sflag:s25], $0x4000  }
0x153: {  	[sflag:s25] =	ssyncset.done $0x0  }
0x154: {  	[sflag:s25] =	ssyncadd.s32 $0xFFFFC000  }
0x155: {  	v3 =	vld [tilespmem:s26+$0x160];
	_ =	sdelay $0x4  }
0x156: {  	v60 =	vshll.u32 v3, $0x1  }
0x157: {  	v3 =	vand.u32 $0x7, v3;
	v4 =	vand.u32 $0xFFFFFFF0, v60  }
0x158: {  	v3 =	vor.u32 v3, v4  }
0x159: {  	v4 =	vperm.xlane v3, v0;
	_ =	sdelay $0x1  }
0x15a: {  	v3 =	vperm.xlane v3, v2;
	v4 =	vadd.s32 v1, v4;
	_ =	sdelay $0x1  }
0x15b: {  	v3 =	vadd.s32 v1, v3;
	_ =	sdelay $0x2  }
0x15c: {  	[tilespmem:s28], [sflag:$0x3] =	stream.indirect_vreg.gather [hbm4b:s1+s3], $0x80, v4, vm0, $0xb8;
	[tilespmem:$0x1C800] =	vst v63  }
0x15d: {  	s31 =	simm.s32 $0x15000  }
0x15e: {  	[tilespmem:s31], [sflag:$0x3] =	stream.indirect_vreg.gather [hbm4b:s1+s3], $0x80, v3, vm0, $0xb8;
	[tilespmem:$0x1C800] =	vst v63  }
0x15f: {  	v3 =	vld [tilespmem:s26+$0x170];
	_ =	sdelay $0x4  }
0x160: {  	v61 =	vshll.u32 v3, $0x1  }
0x161: {  	v3 =	vand.u32 $0x7, v3;
	v4 =	vand.u32 $0xFFFFFFF0, v61  }
0x162: {  	v3 =	vor.u32 v3, v4  }
0x163: {  	v4 =	vperm.xlane v3, v0;
	_ =	sdelay $0x1  }
0x164: {  	v3 =	vperm.xlane v3, v2;
	v4 =	vadd.s32 v1, v4;
	_ =	sdelay $0x1  }
0x165: {  	v3 =	vadd.s32 v1, v3;
	_ =	sdelay $0x1  }
0x166: {  	s31 =	simm.s32 $0x15800  }
0x167: {  	[tilespmem:s31], [sflag:$0x3] =	stream.indirect_vreg.gather [hbm4b:s1+s3], $0x80, v4, vm0, $0xb8;
	[tilespmem:$0x1C800] =	vst v63  }
0x168: {  	s31 =	simm.s32 $0x16000  }
0x169: {  	[tilespmem:s31], [sflag:$0x3] =	stream.indirect_vreg.gather [hbm4b:s1+s3], $0x80, v3, vm0, $0xb8;
	[tilespmem:$0x1C800] =	vst v63  }
0x16a: {  	v3 =	vld [tilespmem:s26+$0x180];
	_ =	sdelay $0x4  }
0x16b: {  	v62 =	vshll.u32 v3, $0x1  }
0x16c: {  	v3 =	vand.u32 $0x7, v3;
	v4 =	vand.u32 $0xFFFFFFF0, v62  }
0x16d: {  	v3 =	vor.u32 v3, v4  }
0x16e: {  	v4 =	vperm.xlane v3, v0;
	_ =	sdelay $0x1  }
0x16f: {  	v3 =	vperm.xlane v3, v2;
	v4 =	vadd.s32 v1, v4;
	_ =	sdelay $0x1  }
0x170: {  	v3 =	vadd.s32 v1, v3;
	_ =	sdelay $0x2  }
0x171: {  	[tilespmem:s2], [sflag:$0x3] =	stream.indirect_vreg.gather [hbm4b:s1+s3], $0x80, v4, vm0, $0xb8;
	[tilespmem:$0x1C800] =	vst v63  }
0x172: {  	_ = 	snop  }
0x173: {  	[tilespmem:s0], [sflag:$0x3] =	stream.indirect_vreg.gather [hbm4b:s1+s3], $0x80, v3, vm0, $0xb8;
	[tilespmem:$0x1C800] =	vst v63  }
0x174: {  	v3 =	vld [tilespmem:s26+$0x190];
	_ =	sdelay $0x4  }
0x175: {  	v63 =	vshll.u32 v3, $0x1  }
0x176: {  	v3 =	vand.u32 $0x7, v3;
	v4 =	vand.u32 $0xFFFFFFF0, v63  }
0x177: {  	v3 =	vor.u32 v3, v4  }
0x178: {  	v4 =	vperm.xlane v3, v0;
	_ =	sdelay $0x1  }
0x179: {  	v3 =	vperm.xlane v3, v2;
	v4 =	vadd.s32 v1, v4;
	_ =	sdelay $0x1  }
0x17a: {  	v3 =	vadd.s32 v1, v3  }
.Ltmp5:
0x17b: {  	_ = 	snop;
	(pc) =	sbr.rel .LBB2_5-.Ltmp5, $4  }
0x17c: {  	_ = 	snop  }
0x17d: {  	[tilespmem:s12], [sflag:$0x3] =	stream.indirect_vreg.gather [hbm4b:s1+s3], $0x80, v4, vm0, $0xb8;
	[tilespmem:$0x1C800] =	vst v63  }
0x17e: {  	_ = 	snop  }
0x17f: {  	[tilespmem:s13], [sflag:$0x3] =	stream.indirect_vreg.gather [hbm4b:s1+s3], $0x80, v3, vm0, $0xb8;
	[tilespmem:$0x1C800] =	vst v63  }
.LBB2_7:
0x180: {  	_ =	sfence.sel $0x180000  }
0x181: {  	[bflag:$0x0] =	sbarrier.arrive $0xFFFF  }
0x182: {  	_ =	strace $0x90000047  }
0x183: {  	s0 =	stileid.u32;
	[bflag:$0x2] =	sbarrier.arrive $0xFFFF  }
0x184: {  	p0 =	sne.s32 s0, $0x0;
	s0 =	rddreg [dreg:$0x3]  }
0x185: {  	s0 =	sadd.s32 @!p0 $0x100000, s0  }
0x186: {  	[sflag:s0] =	ssyncadd.tile.s32 @!p0 $0x1;
	_ =	shalt  }
.Lfunc_end2:
_tile_overlayer_lowered:
.L_overlay_start_2:
0x187: {  	(tag) =	ssettag $0x2  }
0x188: {  	s0 =	rddreg [dreg:$0x0];
	s2 =	stileid.u32  }
0x189: {  	s1 =	rddreg [dreg:$0x1];
	p0 =	sne.s32 s2, $0x0  }
0x18a: {  	s3 =	rddreg [dreg:$0x2];
	[bflag:$0x3] =	sbarrier.arrive $0xFFFF;
	s2 =	simm.s32 @!p0 $0x1C09  }
0x18b: {  	[timem:s3], [sflag:s2] =	dma.local @!p0 [hbm:s0], s1  }
0x18c: {  	s0 =	simm.s32 @!p0 $0x9  }
0x18d: {  	_ =	swait.ge @!p0 [sflag:s0], s1  }
0x18e: {  	s1 =	ssub.s32 @!p0 $0x0, s1;
	[sflag:s0] =	ssyncset.done @!p0 $0x0  }
0x18f: {  	[sflag:s0] =	ssyncadd.s32 @!p0 s1  }
0x190: {  	[bflag:$0x3] =	sbarrier.arrive $0xFFFF  }
0x191: {  	_ =	shalt  }

</sc_bundles>
